<compile_context>
chip_gen: v7x
topology: tpu7x:2x2x1
jax: 0.10.2.dev20260603
libtpu: 0.0.44.dev20260713+nightly
codegen_flags: <defaults>
</compile_context>

<pallas_src>
import functools

import jax
import jax.numpy as jnp
from jax import lax
from jax.experimental import pallas as pl
from jax.experimental.pallas import tpu as pltpu
from jax.experimental.pallas import tpu_sc as plsc

_NC = 2
_NS = 16
_K = 128
_L = 16
_R = 5040
_APAD = 5120
_BLK1 = 1008
_BLK2 = 504

_F32 = jnp.float32

_PACK_LO = tuple(32 * (w // 16) + w % 16 for w in range(64))
_PACK_HI = tuple(c + 16 for c in _PACK_LO)
_DEG_W = _PACK_LO.index(64)


def _dot(a, b):
    return jnp.dot(a, b, preferred_element_type=_F32)




def _mlp1_call(x, w1, b1, w2, b2):
    n, d = x.shape
    hn = w1.shape[1]
    do = w2.shape[1]

    def body(x_ref, w1r, b1r, w2r, b2r, y_ref):
        h = jnp.maximum(_dot(x_ref[...], w1r[...]) + b1r[...], 0.0)
        y_ref[...] = _dot(h, w2r[...]) + b2r[...]

    return pl.pallas_call(
        body,
        grid=(n // _BLK1,),
        in_specs=[
            pl.BlockSpec((_BLK1, d), lambda i: (i, 0)),
            pl.BlockSpec((d, hn), lambda i: (0, 0)),
            pl.BlockSpec((1, hn), lambda i: (0, 0)),
            pl.BlockSpec((hn, do), lambda i: (0, 0)),
            pl.BlockSpec((1, do), lambda i: (0, 0)),
        ],
        out_specs=pl.BlockSpec((_BLK1, do), lambda i: (i, 0)),
        out_shape=jax.ShapeDtypeStruct((n, do), _F32),
    )(x, w1, b1, w2, b2)


def _mlp2_call(x, accs, batch2, u, w2x, w2axl, w2axh, w2u, b1, w22, b2):
    n, d = x.shape
    nb = u.shape[0]
    hn = w22.shape[0]
    bpr = _R // _BLK2

    def body(x_ref, acc_ref, b_ref, u_ref, w2xr, w2axlr, w2axhr, w2ur,
             b1r, w22r, b2r, xo, gm, bc):
        i = pl.program_id(0)
        wrd = acc_ref[0]
        lo_f = lax.bitcast_convert_type(wrd << 16, _F32)
        hi_f = lax.bitcast_convert_type(wrd & jnp.int32(-65536), _F32)
        rec = 1.0 / jnp.maximum(lo_f[:, _DEG_W:_DEG_W + 1], 1.0)
        oh = (b_ref[...] == lax.broadcasted_iota(jnp.int32, (1, nb), 1))
        oh = oh.astype(_F32)
        t = _dot(u_ref[...], w2ur[...])
        h = (_dot(x_ref[...], w2xr[...]) + _dot(lo_f * rec, w2axlr[...])
             + _dot(hi_f * rec, w2axhr[...])
             + _dot(oh, t) + b1r[...])
        xn = _dot(jnp.maximum(h, 0.0), w22r[...]) + b2r[...]
        xo[...] = xn

        @pl.when(i == 0)
        def _():
            gm[...] = jnp.zeros_like(gm)
            bc[...] = jnp.zeros_like(bc)

        gm[...] += lax.dot_general(oh, xn, (((0,), (0,)), ((), ())),
                                   preferred_element_type=_F32)
        bc[...] += jnp.broadcast_to(jnp.sum(oh, axis=0)[:, None],
                                    (nb, d))

    return pl.pallas_call(
        body,
        grid=(n // _BLK2,),
        in_specs=[
            pl.BlockSpec((_BLK2, d), lambda i: (i, 0)),
            pl.BlockSpec((1, _BLK2, d // 2),
                         lambda i: (i // bpr, i % bpr, 0)),
            pl.BlockSpec((_BLK2, 1), lambda i: (i, 0)),
            pl.BlockSpec((nb, d), lambda i: (0, 0)),
            pl.BlockSpec((d, hn), lambda i: (0, 0)),
            pl.BlockSpec((d // 2, hn), lambda i: (0, 0)),
            pl.BlockSpec((d // 2, hn), lambda i: (0, 0)),
            pl.BlockSpec((d, hn), lambda i: (0, 0)),
            pl.BlockSpec((1, hn), lambda i: (0, 0)),
            pl.BlockSpec((hn, d), lambda i: (0, 0)),
            pl.BlockSpec((1, d), lambda i: (0, 0)),
        ],
        out_specs=[
            pl.BlockSpec((_BLK2, d), lambda i: (i, 0)),
            pl.BlockSpec((nb, d), lambda i: (0, 0)),
            pl.BlockSpec((nb, d), lambda i: (0, 0)),
        ],
        out_shape=[
            jax.ShapeDtypeStruct((n, d), _F32),
            jax.ShapeDtypeStruct((nb, d), _F32),
            jax.ShapeDtypeStruct((nb, d), _F32),
        ],
    )(x, accs, batch2, u, w2x, w2axl, w2axh, w2u, b1, w22, b2)


def _global_call(u, gm_sum, bc, w1u, w1g, b1, w2, b2):
    nb, d = u.shape
    hg = w1u.shape[1]
    out = w2.shape[1]

    def body(u_ref, gm_ref, bc_ref, w1ur, w1gr, b1r, w2r, b2r, uo):
        gm = gm_ref[...] / jnp.maximum(bc_ref[...], 1.0)
        h = jnp.maximum(_dot(u_ref[...], w1ur[...]) + _dot(gm, w1gr[...])
                        + b1r[...], 0.0)
        uo[...] = _dot(h, w2r[...]) + b2r[...]

    return pl.pallas_call(
        body,
        in_specs=[
            pl.BlockSpec((nb, d), lambda: (0, 0)),
            pl.BlockSpec((nb, d), lambda: (0, 0)),
            pl.BlockSpec((nb, d), lambda: (0, 0)),
            pl.BlockSpec((d, hg), lambda: (0, 0)),
            pl.BlockSpec((d, hg), lambda: (0, 0)),
            pl.BlockSpec((1, hg), lambda: (0, 0)),
            pl.BlockSpec((hg, out), lambda: (0, 0)),
            pl.BlockSpec((1, out), lambda: (0, 0)),
        ],
        out_specs=pl.BlockSpec((nb, out), lambda: (0, 0)),
        out_shape=jax.ShapeDtypeStruct((nb, out), _F32),
    )(u, gm_sum, bc, w1u, w1g, b1, w2, b2)




@functools.lru_cache(maxsize=None)
def _edge_agg_kernel(d, ch):
    rpt = _APAD // _NS
    cvr = 64
    mesh = plsc.VectorSubcoreMesh(core_axis_name="c", subcore_axis_name="s",
                                  num_cores=_NC, num_subcores=_NS)

    def body(y_hbm, row_hbm, col_hbm, zeros_hbm, out_hbm,
             idx_row, idx_col, gbuf, fbuf, obuf, acc, sem):
        cid = lax.axis_index("c")
        sid = lax.axis_index("s")
        r0 = sid * rpt
        base = (cid * _R).astype(jnp.int32)
        pltpu.sync_copy(zeros_hbm, acc.at[pl.ds(r0, rpt)])
        pltpu.sync_copy(row_hbm.at[sid], idx_row)
        pltpu.sync_copy(col_hbm.at[sid], idx_col)

        @pl.loop(0, ch)
        def _remap(j):
            for l in range(_K // _L):
                v = idx_col[j, pl.ds(l * _L, _L)] - base
                ok = (v >= 0) & (v < _R)
                idx_col[j, pl.ds(l * _L, _L)] = jnp.where(ok, v, _R)

        plsc.subcore_barrier()

        @pl.loop(0, ch)
        def _chunk(j):
            pltpu.async_copy(y_hbm.at[idx_row.at[j]], gbuf, sem).wait()
            pltpu.sync_copy(gbuf, acc.at[idx_col.at[j]], add=True)

        plsc.subcore_barrier()

        for q in range(rpt // cvr):
            pltpu.sync_copy(acc.at[pl.ds(r0 + q * cvr, cvr)], fbuf)

            @pl.loop(0, cvr)
            def _cv(r):
                for g in range(d // 32):
                    a = fbuf[r, pl.ds(g * 32, _L)]
                    b = fbuf[r, pl.ds(g * 32 + _L, _L)]
                    ua = plsc.bitcast(a, jnp.uint32)
                    ub = plsc.bitcast(b, jnp.uint32)
                    ta = ua + jnp.uint32(0x7FFF) + ((ua >> 16) & 1)
                    tb = ub + jnp.uint32(0x7FFF) + ((ub >> 16) & 1)
                    w = (ta >> 16) | (tb & jnp.uint32(0xFFFF0000))
                    obuf[r, pl.ds(g * _L, _L)] = plsc.bitcast(w, jnp.int32)

            pltpu.sync_copy(obuf,
                            out_hbm.at[cid, pl.ds(r0 + q * cvr, cvr)])

    return pl.kernel(
        body,
        out_type=jax.ShapeDtypeStruct((_NC, _APAD, d // 2), jnp.int32),
        compiler_params=pltpu.CompilerParams(needs_layout_passes=False),
        mesh=mesh,
        scratch_types=[
            pltpu.VMEM((ch, _K), jnp.int32),
            pltpu.VMEM((ch, _K), jnp.int32),
            pltpu.VMEM((_K, d), _F32),
            pltpu.VMEM((cvr, d), _F32),
            pltpu.VMEM((cvr, d // 2), jnp.int32),
            pltpu.VMEM_SHARED((_APAD, d), _F32),
            pltpu.SemaphoreType.DMA,
        ],
    )


def _edge_agg_call(y, row3, col3):
    d = y.shape[1]
    ch = row3.shape[1]
    rpt = _APAD // _NS
    f = _edge_agg_kernel(d, ch)
    return f(y, row3, col3, jnp.zeros((rpt, d), _F32))




def kernel(x, edge_index, u, batch, params):
    n, d = x.shape
    e = edge_index.shape[1]
    row = edge_index[0].astype(jnp.int32)
    col = edge_index[1].astype(jnp.int32)

    npad = _NC * _R
    grp = _NS * _K
    ep = -(-e // grp) * grp

    row3 = jnp.concatenate([row, jnp.zeros((ep - e,), jnp.int32)])
    row3 = row3.reshape(_NS, ep // grp, _K)
    col3 = jnp.concatenate([col, jnp.full((ep - e,), n, jnp.int32)])
    col3 = col3.reshape(_NS, ep // grp, _K)

    xp = jnp.concatenate([x, jnp.zeros((npad - n, d), _F32)])
    batch2 = jnp.concatenate([batch.astype(jnp.int32),
                              jnp.full((npad - n,), 16, jnp.int32)])
    batch2 = batch2.reshape(npad, 1)

    hn = params[0]['n1_W2'].shape[1]

    def stack(f):
        return jnp.stack([f(p) for p in params])

    xs = (
        stack(lambda p: p['n1_W1']),
        stack(lambda p: p['n1_b1'].reshape(1, -1)),
        stack(lambda p: jnp.zeros((hn, d), _F32).at[:, :hn].set(p['n1_W2'])),
        stack(lambda p: jnp.zeros((1, d), _F32)
              .at[0, :hn].set(p['n1_b2']).at[0, hn].set(1.0)),
        stack(lambda p: p['n2_W1'][:d]),
        stack(lambda p: jnp.concatenate(
            [p['n2_W1'][d:d + hn],
             jnp.zeros((d - hn, hn), _F32)])[jnp.asarray(_PACK_LO)]),
        stack(lambda p: jnp.concatenate(
            [p['n2_W1'][d:d + hn],
             jnp.zeros((d - hn, hn), _F32)])[jnp.asarray(_PACK_HI)]),
        stack(lambda p: p['n2_W1'][d + hn:]),
        stack(lambda p: p['n2_b1'].reshape(1, -1)),
        stack(lambda p: p['n2_W2']),
        stack(lambda p: p['n2_b2'].reshape(1, -1)),
        stack(lambda p: p['g_W1'][:d]),
        stack(lambda p: p['g_W1'][d:]),
        stack(lambda p: p['g_b1'].reshape(1, -1)),
        stack(lambda p: p['g_W2']),
        stack(lambda p: p['g_b2'].reshape(1, -1)),
    )

    def layer(carry, pw):
        x, u = carry
        (w1, b1, w2p, b2p, w2x, w2axl, w2axh, w2u, nb1, w22, nb2,
         gw1u, gw1g, gb1, gw2, gb2) = pw
        y = _mlp1_call(x, w1, b1, w2p, b2p)
        accs = _edge_agg_call(y, row3, col3)
        x, gm_sum, bc = _mlp2_call(x, accs, batch2, u,
                                   w2x, w2axl, w2axh, w2u, nb1, w22, nb2)
        u = _global_call(u, gm_sum, bc, gw1u, gw1g, gb1, gw2, gb2)
        return (x, u), None

    (xp, u), _ = lax.scan(layer, (xp, u), xs)
    return (xp[:n], u)

# --- scband reference (transcript-rebuilt; emitter-appended) ---
"""Pipeline reference for scband-processor-7138235646193 (READ-ONLY COPY).

The authoritative reference and input builder live on the scoring server;
editing this copy changes nothing except your own understanding.
"""

import jax, jax.numpy as jnp
import numpy as np

N = 10000
E = 320000
B = 16
D = 128
HN = 64
HG = 64
OUT = 128
HOPS = 2


def _mlp(x, W1, b1, W2, b2):
    return jnp.maximum(x @ W1 + b1, 0.0) @ W2 + b2


def _scatter_mean(src, index, num_segments):
    s = jax.ops.segment_sum(src, index, num_segments=num_segments)
    c = jax.ops.segment_sum(jnp.ones((src.shape[0], 1), src.dtype), index, num_segments=num_segments)
    return s / jnp.maximum(c, 1.0)


def _make_params(key):
    def w(k, shp):
        return jax.random.normal(k, shp, dtype=jnp.float32) * 0.05
    params = []
    for i in range(HOPS + 1):
        ks = jax.random.split(jax.random.fold_in(key, i), 6)
        p = {
            'n1_W1': w(ks[0], (D, HN)), 'n1_b1': jnp.zeros((HN,), jnp.float32),
            'n1_W2': w(ks[1], (HN, HN)), 'n1_b2': jnp.zeros((HN,), jnp.float32),
            'n2_W1': w(ks[2], (D + HN + D, HN)), 'n2_b1': jnp.zeros((HN,), jnp.float32),
            'n2_W2': w(ks[3], (HN, D)), 'n2_b2': jnp.zeros((D,), jnp.float32),
            'g_W1': w(ks[4], (D + D, HG)), 'g_b1': jnp.zeros((HG,), jnp.float32),
            'g_W2': w(ks[5], (HG, OUT)), 'g_b2': jnp.zeros((OUT,), jnp.float32),
        }
        params.append(p)
    return params


def setup_inputs(seed: int = 0):
    key = jax.random.key(seed)
    x = jax.random.normal(jax.random.fold_in(key, 1), (N, D), dtype=jnp.float32)
    edge_index = jax.random.randint(jax.random.fold_in(key, 2), (2, E), 0, N)
    u = jax.random.normal(jax.random.fold_in(key, 3), (B, D), dtype=jnp.float32)
    batch = jnp.sort(jax.random.randint(jax.random.fold_in(key, 4), (N,), 0, B))
    params = _make_params(jax.random.fold_in(key, 5))
    return {'x': x, 'edge_index': edge_index, 'u': u, 'batch': batch, 'params': params}


def reference(x, edge_index, u, batch, params):
    row = edge_index[0]
    col = edge_index[1]
    n = x.shape[0]
    nb = u.shape[0]
    for p in params:
        # NodeModel
        h = _mlp(x[row], p['n1_W1'], p['n1_b1'], p['n1_W2'], p['n1_b2'])
        agg = _scatter_mean(h, col, n)
        x = _mlp(jnp.concatenate([x, agg, u[batch]], axis=1), p['n2_W1'], p['n2_b1'], p['n2_W2'], p['n2_b2'])
        # GlobalModel
        gm = _scatter_mean(x, batch, nb)
        u = _mlp(jnp.concatenate([u, gm], axis=1), p['g_W1'], p['g_b1'], p['g_W2'], p['g_b2'])
    return (x, u)

if __name__ == "__main__":
    import jax
    _d = setup_inputs()
    print(jax.jit(kernel)(*tuple(_d.values())))

</pallas_src>

<mosaic_0001>
#map = affine_map<(d0, d1) -> (0, 0)>
#map1 = affine_map<(d0, d1) -> (0, 0, 0)>
module attributes {stable_mosaic.version = 14 : i64} {
  func.func @body(%arg0: i32, %arg1: i32, %arg2: memref<10080x128xf32, #tpu.memory_space<hbm>>, %arg3: memref<16x157x128xi32, #tpu.memory_space<hbm>>, %arg4: memref<16x157x128xi32, #tpu.memory_space<hbm>>, %arg5: memref<320x128xf32, #tpu.memory_space<hbm>>, %arg6: memref<2x5120x64xi32, #tpu.memory_space<hbm>>, %arg7: memref<157x128xi32, #tpu.memory_space<vmem>>, %arg8: memref<157x128xi32, #tpu.memory_space<vmem>>, %arg9: memref<128x128xf32, #tpu.memory_space<vmem>>, %arg10: memref<64x128xf32, #tpu.memory_space<vmem>>, %arg11: memref<64x64xi32, #tpu.memory_space<vmem>>, %arg12: memref<5120x128xf32, #tpu.memory_space<vmem_shared>>, %arg13: memref<!tpu.dma_semaphore, #tpu.memory_space<semaphore_mem>>) attributes {dimension_semantics = [#tpu.dimension_semantics<core_parallel>, #tpu.dimension_semantics<subcore_parallel>], iteration_bounds = array<i64: 2, 16>, scalar_prefetch = 0 : i64, scratch_operands = 7 : i64, tpu.core_type = #tpu.core_type<sc_vector_subcore>, window_params = [{transform_indices = #map}, {transform_indices = #map1}, {transform_indices = #map1}, {transform_indices = #map}, {transform_indices = #map1}]} {
    %mul3A = arith.constant 320 : i32
    %mul3A_0 = arith.muli %arg1, %mul3A : i32
    %mul3A_1 = arith.constant 5040 : i32
    %mul3A_2 = arith.muli %arg0, %mul3A_1 : i32
    "tpu.region"() ({
      %run_scoped3A = tpu.sem_alloc : memref<!tpu.dma_semaphore, #tpu.memory_space<semaphore_mem>>
      %dma_start3A = arith.constant 0 : i32
      %dma_start3A_57 = tpu.memref_slice %arg12[%mul3A_0, %dma_start3A] : memref<5120x128xf32, #tpu.memory_space<vmem_shared>> -> memref<320x128xf32, #tpu.memory_space<vmem_shared>>
      tpu.enqueue_dma source(%arg5 : memref<320x128xf32, #tpu.memory_space<hbm>>) target(%dma_start3A_57 : memref<320x128xf32, #tpu.memory_space<vmem_shared>>) target_semaphore(%run_scoped3A : memref<!tpu.dma_semaphore, #tpu.memory_space<semaphore_mem>>)
      %dma_wait3A = arith.constant 0 : i32
      %dma_wait3A_58 = tpu.memref_slice %arg12[%mul3A_0, %dma_wait3A] : memref<5120x128xf32, #tpu.memory_space<vmem_shared>> -> memref<320x128xf32, #tpu.memory_space<vmem_shared>>
      tpu.wait_dma2 semaphore(%run_scoped3A : memref<!tpu.dma_semaphore, #tpu.memory_space<semaphore_mem>>) src(%arg5 : memref<320x128xf32, #tpu.memory_space<hbm>>) dst(%dma_wait3A_58 : memref<320x128xf32, #tpu.memory_space<vmem_shared>>)
      tpu.yield
    }) : () -> ()
    "tpu.region"() ({
      %run_scoped3A = tpu.sem_alloc : memref<!tpu.dma_semaphore, #tpu.memory_space<semaphore_mem>>
      %dma_start3A = arith.constant 0 : i32
      %dma_start3A_57 = arith.constant 0 : i32
      %dma_start3A_58 = tpu.memref_slice %arg3[%arg1, %dma_start3A, %dma_start3A_57] : memref<16x157x128xi32, #tpu.memory_space<hbm>> -> memref<1x157x128xi32, #tpu.memory_space<hbm>>
      %dma_start3A_59 = tpu.memref_squeeze %dma_start3A_58 : memref<1x157x128xi32, #tpu.memory_space<hbm>> -> memref<157x128xi32, #tpu.memory_space<hbm>>
      %dma_start3A_60 = arith.constant 0 : i32
      %dma_start3A_61 = arith.constant 0 : i32
      %dma_start3A_62 = tpu.memref_slice %arg3[%arg1, %dma_start3A_60, %dma_start3A_61] : memref<16x157x128xi32, #tpu.memory_space<hbm>> -> memref<1x157x128xi32, #tpu.memory_space<hbm>>
      %dma_start3A_63 = tpu.memref_squeeze %dma_start3A_62 : memref<1x157x128xi32, #tpu.memory_space<hbm>> -> memref<157x128xi32, #tpu.memory_space<hbm>>
      tpu.enqueue_dma source(%dma_start3A_63 : memref<157x128xi32, #tpu.memory_space<hbm>>) target(%arg7 : memref<157x128xi32, #tpu.memory_space<vmem>>) target_semaphore(%run_scoped3A : memref<!tpu.dma_semaphore, #tpu.memory_space<semaphore_mem>>)
      %dma_wait3A = arith.constant 0 : i32
      %dma_wait3A_64 = arith.constant 0 : i32
      %dma_wait3A_65 = tpu.memref_slice %arg3[%arg1, %dma_wait3A, %dma_wait3A_64] : memref<16x157x128xi32, #tpu.memory_space<hbm>> -> memref<1x157x128xi32, #tpu.memory_space<hbm>>
      %dma_wait3A_66 = tpu.memref_squeeze %dma_wait3A_65 : memref<1x157x128xi32, #tpu.memory_space<hbm>> -> memref<157x128xi32, #tpu.memory_space<hbm>>
      %dma_wait3A_67 = arith.constant 0 : i32
      %dma_wait3A_68 = arith.constant 0 : i32
      %dma_wait3A_69 = tpu.memref_slice %arg3[%arg1, %dma_wait3A_67, %dma_wait3A_68] : memref<16x157x128xi32, #tpu.memory_space<hbm>> -> memref<1x157x128xi32, #tpu.memory_space<hbm>>
      %dma_wait3A_70 = tpu.memref_squeeze %dma_wait3A_69 : memref<1x157x128xi32, #tpu.memory_space<hbm>> -> memref<157x128xi32, #tpu.memory_space<hbm>>
      tpu.wait_dma2 semaphore(%run_scoped3A : memref<!tpu.dma_semaphore, #tpu.memory_space<semaphore_mem>>) src(%dma_wait3A_70 : memref<157x128xi32, #tpu.memory_space<hbm>>) dst(%arg7 : memref<157x128xi32, #tpu.memory_space<vmem>>)
      tpu.yield
    }) : () -> ()
    "tpu.region"() ({
      %run_scoped3A = tpu.sem_alloc : memref<!tpu.dma_semaphore, #tpu.memory_space<semaphore_mem>>
      %dma_start3A = arith.constant 0 : i32
      %dma_start3A_57 = arith.constant 0 : i32
      %dma_start3A_58 = tpu.memref_slice %arg4[%arg1, %dma_start3A, %dma_start3A_57] : memref<16x157x128xi32, #tpu.memory_space<hbm>> -> memref<1x157x128xi32, #tpu.memory_space<hbm>>
      %dma_start3A_59 = tpu.memref_squeeze %dma_start3A_58 : memref<1x157x128xi32, #tpu.memory_space<hbm>> -> memref<157x128xi32, #tpu.memory_space<hbm>>
      %dma_start3A_60 = arith.constant 0 : i32
      %dma_start3A_61 = arith.constant 0 : i32
      %dma_start3A_62 = tpu.memref_slice %arg4[%arg1, %dma_start3A_60, %dma_start3A_61] : memref<16x157x128xi32, #tpu.memory_space<hbm>> -> memref<1x157x128xi32, #tpu.memory_space<hbm>>
      %dma_start3A_63 = tpu.memref_squeeze %dma_start3A_62 : memref<1x157x128xi32, #tpu.memory_space<hbm>> -> memref<157x128xi32, #tpu.memory_space<hbm>>
      tpu.enqueue_dma source(%dma_start3A_63 : memref<157x128xi32, #tpu.memory_space<hbm>>) target(%arg8 : memref<157x128xi32, #tpu.memory_space<vmem>>) target_semaphore(%run_scoped3A : memref<!tpu.dma_semaphore, #tpu.memory_space<semaphore_mem>>)
      %dma_wait3A = arith.constant 0 : i32
      %dma_wait3A_64 = arith.constant 0 : i32
      %dma_wait3A_65 = tpu.memref_slice %arg4[%arg1, %dma_wait3A, %dma_wait3A_64] : memref<16x157x128xi32, #tpu.memory_space<hbm>> -> memref<1x157x128xi32, #tpu.memory_space<hbm>>
      %dma_wait3A_66 = tpu.memref_squeeze %dma_wait3A_65 : memref<1x157x128xi32, #tpu.memory_space<hbm>> -> memref<157x128xi32, #tpu.memory_space<hbm>>
      %dma_wait3A_67 = arith.constant 0 : i32
      %dma_wait3A_68 = arith.constant 0 : i32
      %dma_wait3A_69 = tpu.memref_slice %arg4[%arg1, %dma_wait3A_67, %dma_wait3A_68] : memref<16x157x128xi32, #tpu.memory_space<hbm>> -> memref<1x157x128xi32, #tpu.memory_space<hbm>>
      %dma_wait3A_70 = tpu.memref_squeeze %dma_wait3A_69 : memref<1x157x128xi32, #tpu.memory_space<hbm>> -> memref<157x128xi32, #tpu.memory_space<hbm>>
      tpu.wait_dma2 semaphore(%run_scoped3A : memref<!tpu.dma_semaphore, #tpu.memory_space<semaphore_mem>>) src(%dma_wait3A_70 : memref<157x128xi32, #tpu.memory_space<hbm>>) dst(%arg8 : memref<157x128xi32, #tpu.memory_space<vmem>>)
      tpu.yield
    }) : () -> ()
    %scan3A = arith.constant 0 : i32
    %scan3A_3 = arith.constant 157 : i32
    %scan3A_4 = arith.addi %scan3A, %scan3A_3 : i32
    %scan3A_5 = arith.constant 1 : i32
    scf.for %scan3A_57 = %scan3A to %scan3A_4 step %scan3A_5  : i32 {
      %mul3A_58 = arith.constant 1 : i32
      %mul3A_59 = arith.muli %scan3A_57, %mul3A_58 : i32
      %add3A_60 = arith.constant 0 : i32
      %add3A_61 = arith.addi %add3A_60, %mul3A_59 : i32
      %get3A = arith.index_cast %add3A_61 : i32 to index
      %get3A_62 = arith.constant 0 : index
      %get3A_63 = tpu.vector_load %arg8[%get3A, %get3A_62] {strides = array<i32>} : memref<157x128xi32, #tpu.memory_space<vmem>>, vector<16xi32>,
      %sub3A = vector.broadcast %mul3A_2 : i32 to vector<16xi32>
      %sub3A_64 = arith.subi %get3A_63, %sub3A : vector<16xi32>
      %ge3A = arith.constant 0 : i32
      %ge3A_65 = vector.broadcast %ge3A : i32 to vector<16xi32>
      %ge3A_66 = arith.cmpi sge, %sub3A_64, %ge3A_65 : vector<16xi32>
      %lt3A = arith.constant 5040 : i32
      %lt3A_67 = vector.broadcast %lt3A : i32 to vector<16xi32>
      %lt3A_68 = arith.cmpi slt, %sub3A_64, %lt3A_67 : vector<16xi32>
      %and3A = arith.andi %ge3A_66, %lt3A_68 : vector<16xi1>
      %jit3A = arith.constant 5040 : i32
      %broadcast_in_dim3A = vector.broadcast %jit3A : i32 to vector<16xi32>
      %select_n3A = arith.select %and3A, %sub3A_64, %broadcast_in_dim3A : vector<16xi1>, vector<16xi32>
      %swap3A = arith.index_cast %add3A_61 : i32 to index
      %swap3A_69 = arith.constant 0 : index
      %swap3A_70 = tpu.vector_load %arg8[%swap3A, %swap3A_69] {strides = array<i32>} : memref<157x128xi32, #tpu.memory_space<vmem>>, vector<16xi32>,
      tpu.vector_store %arg8[%swap3A, %swap3A_69], %select_n3A {strides = array<i32>} : memref<157x128xi32, #tpu.memory_space<vmem>>, vector<16xi32>,
      %get3A_71 = arith.index_cast %add3A_61 : i32 to index
      %get3A_72 = arith.constant 16 : index
      %get3A_73 = tpu.vector_load %arg8[%get3A_71, %get3A_72] {strides = array<i32>} : memref<157x128xi32, #tpu.memory_space<vmem>>, vector<16xi32>,
      %sub3A_74 = vector.broadcast %mul3A_2 : i32 to vector<16xi32>
      %sub3A_75 = arith.subi %get3A_73, %sub3A_74 : vector<16xi32>
      %ge3A_76 = arith.constant 0 : i32
      %ge3A_77 = vector.broadcast %ge3A_76 : i32 to vector<16xi32>
      %ge3A_78 = arith.cmpi sge, %sub3A_75, %ge3A_77 : vector<16xi32>
      %lt3A_79 = arith.constant 5040 : i32
      %lt3A_80 = vector.broadcast %lt3A_79 : i32 to vector<16xi32>
      %lt3A_81 = arith.cmpi slt, %sub3A_75, %lt3A_80 : vector<16xi32>
      %and3A_82 = arith.andi %ge3A_78, %lt3A_81 : vector<16xi1>
      %jit3A_83 = arith.constant 5040 : i32
      %broadcast_in_dim3A_84 = vector.broadcast %jit3A_83 : i32 to vector<16xi32>
      %select_n3A_85 = arith.select %and3A_82, %sub3A_75, %broadcast_in_dim3A_84 : vector<16xi1>, vector<16xi32>
      %swap3A_86 = arith.index_cast %add3A_61 : i32 to index
      %swap3A_87 = arith.constant 16 : index
      %swap3A_88 = tpu.vector_load %arg8[%swap3A_86, %swap3A_87] {strides = array<i32>} : memref<157x128xi32, #tpu.memory_space<vmem>>, vector<16xi32>,
      tpu.vector_store %arg8[%swap3A_86, %swap3A_87], %select_n3A_85 {strides = array<i32>} : memref<157x128xi32, #tpu.memory_space<vmem>>, vector<16xi32>,
      %get3A_89 = arith.index_cast %add3A_61 : i32 to index
      %get3A_90 = arith.constant 32 : index
      %get3A_91 = tpu.vector_load %arg8[%get3A_89, %get3A_90] {strides = array<i32>} : memref<157x128xi32, #tpu.memory_space<vmem>>, vector<16xi32>,
      %sub3A_92 = vector.broadcast %mul3A_2 : i32 to vector<16xi32>
      %sub3A_93 = arith.subi %get3A_91, %sub3A_92 : vector<16xi32>
      %ge3A_94 = arith.constant 0 : i32
      %ge3A_95 = vector.broadcast %ge3A_94 : i32 to vector<16xi32>
      %ge3A_96 = arith.cmpi sge, %sub3A_93, %ge3A_95 : vector<16xi32>
      %lt3A_97 = arith.constant 5040 : i32
      %lt3A_98 = vector.broadcast %lt3A_97 : i32 to vector<16xi32>
      %lt3A_99 = arith.cmpi slt, %sub3A_93, %lt3A_98 : vector<16xi32>
      %and3A_100 = arith.andi %ge3A_96, %lt3A_99 : vector<16xi1>
      %jit3A_101 = arith.constant 5040 : i32
      %broadcast_in_dim3A_102 = vector.broadcast %jit3A_101 : i32 to vector<16xi32>
      %select_n3A_103 = arith.select %and3A_100, %sub3A_93, %broadcast_in_dim3A_102 : vector<16xi1>, vector<16xi32>
      %swap3A_104 = arith.index_cast %add3A_61 : i32 to index
      %swap3A_105 = arith.constant 32 : index
      %swap3A_106 = tpu.vector_load %arg8[%swap3A_104, %swap3A_105] {strides = array<i32>} : memref<157x128xi32, #tpu.memory_space<vmem>>, vector<16xi32>,
      tpu.vector_store %arg8[%swap3A_104, %swap3A_105], %select_n3A_103 {strides = array<i32>} : memref<157x128xi32, #tpu.memory_space<vmem>>, vector<16xi32>,
      %get3A_107 = arith.index_cast %add3A_61 : i32 to index
      %get3A_108 = arith.constant 48 : index
      %get3A_109 = tpu.vector_load %arg8[%get3A_107, %get3A_108] {strides = array<i32>} : memref<157x128xi32, #tpu.memory_space<vmem>>, vector<16xi32>,
      %sub3A_110 = vector.broadcast %mul3A_2 : i32 to vector<16xi32>
      %sub3A_111 = arith.subi %get3A_109, %sub3A_110 : vector<16xi32>
      %ge3A_112 = arith.constant 0 : i32
      %ge3A_113 = vector.broadcast %ge3A_112 : i32 to vector<16xi32>
      %ge3A_114 = arith.cmpi sge, %sub3A_111, %ge3A_113 : vector<16xi32>
      %lt3A_115 = arith.constant 5040 : i32
      %lt3A_116 = vector.broadcast %lt3A_115 : i32 to vector<16xi32>
      %lt3A_117 = arith.cmpi slt, %sub3A_111, %lt3A_116 : vector<16xi32>
      %and3A_118 = arith.andi %ge3A_114, %lt3A_117 : vector<16xi1>
      %jit3A_119 = arith.constant 5040 : i32
      %broadcast_in_dim3A_120 = vector.broadcast %jit3A_119 : i32 to vector<16xi32>
      %select_n3A_121 = arith.select %and3A_118, %sub3A_111, %broadcast_in_dim3A_120 : vector<16xi1>, vector<16xi32>
      %swap3A_122 = arith.index_cast %add3A_61 : i32 to index
      %swap3A_123 = arith.constant 48 : index
      %swap3A_124 = tpu.vector_load %arg8[%swap3A_122, %swap3A_123] {strides = array<i32>} : memref<157x128xi32, #tpu.memory_space<vmem>>, vector<16xi32>,
      tpu.vector_store %arg8[%swap3A_122, %swap3A_123], %select_n3A_121 {strides = array<i32>} : memref<157x128xi32, #tpu.memory_space<vmem>>, vector<16xi32>,
      %get3A_125 = arith.index_cast %add3A_61 : i32 to index
      %get3A_126 = arith.constant 64 : index
      %get3A_127 = tpu.vector_load %arg8[%get3A_125, %get3A_126] {strides = array<i32>} : memref<157x128xi32, #tpu.memory_space<vmem>>, vector<16xi32>,
      %sub3A_128 = vector.broadcast %mul3A_2 : i32 to vector<16xi32>
      %sub3A_129 = arith.subi %get3A_127, %sub3A_128 : vector<16xi32>
      %ge3A_130 = arith.constant 0 : i32
      %ge3A_131 = vector.broadcast %ge3A_130 : i32 to vector<16xi32>
      %ge3A_132 = arith.cmpi sge, %sub3A_129, %ge3A_131 : vector<16xi32>
      %lt3A_133 = arith.constant 5040 : i32
      %lt3A_134 = vector.broadcast %lt3A_133 : i32 to vector<16xi32>
      %lt3A_135 = arith.cmpi slt, %sub3A_129, %lt3A_134 : vector<16xi32>
      %and3A_136 = arith.andi %ge3A_132, %lt3A_135 : vector<16xi1>
      %jit3A_137 = arith.constant 5040 : i32
      %broadcast_in_dim3A_138 = vector.broadcast %jit3A_137 : i32 to vector<16xi32>
      %select_n3A_139 = arith.select %and3A_136, %sub3A_129, %broadcast_in_dim3A_138 : vector<16xi1>, vector<16xi32>
      %swap3A_140 = arith.index_cast %add3A_61 : i32 to index
      %swap3A_141 = arith.constant 64 : index
      %swap3A_142 = tpu.vector_load %arg8[%swap3A_140, %swap3A_141] {strides = array<i32>} : memref<157x128xi32, #tpu.memory_space<vmem>>, vector<16xi32>,
      tpu.vector_store %arg8[%swap3A_140, %swap3A_141], %select_n3A_139 {strides = array<i32>} : memref<157x128xi32, #tpu.memory_space<vmem>>, vector<16xi32>,
      %get3A_143 = arith.index_cast %add3A_61 : i32 to index
      %get3A_144 = arith.constant 80 : index
      %get3A_145 = tpu.vector_load %arg8[%get3A_143, %get3A_144] {strides = array<i32>} : memref<157x128xi32, #tpu.memory_space<vmem>>, vector<16xi32>,
      %sub3A_146 = vector.broadcast %mul3A_2 : i32 to vector<16xi32>
      %sub3A_147 = arith.subi %get3A_145, %sub3A_146 : vector<16xi32>
      %ge3A_148 = arith.constant 0 : i32
      %ge3A_149 = vector.broadcast %ge3A_148 : i32 to vector<16xi32>
      %ge3A_150 = arith.cmpi sge, %sub3A_147, %ge3A_149 : vector<16xi32>
      %lt3A_151 = arith.constant 5040 : i32
      %lt3A_152 = vector.broadcast %lt3A_151 : i32 to vector<16xi32>
      %lt3A_153 = arith.cmpi slt, %sub3A_147, %lt3A_152 : vector<16xi32>
      %and3A_154 = arith.andi %ge3A_150, %lt3A_153 : vector<16xi1>
      %jit3A_155 = arith.constant 5040 : i32
      %broadcast_in_dim3A_156 = vector.broadcast %jit3A_155 : i32 to vector<16xi32>
      %select_n3A_157 = arith.select %and3A_154, %sub3A_147, %broadcast_in_dim3A_156 : vector<16xi1>, vector<16xi32>
      %swap3A_158 = arith.index_cast %add3A_61 : i32 to index
      %swap3A_159 = arith.constant 80 : index
      %swap3A_160 = tpu.vector_load %arg8[%swap3A_158, %swap3A_159] {strides = array<i32>} : memref<157x128xi32, #tpu.memory_space<vmem>>, vector<16xi32>,
      tpu.vector_store %arg8[%swap3A_158, %swap3A_159], %select_n3A_157 {strides = array<i32>} : memref<157x128xi32, #tpu.memory_space<vmem>>, vector<16xi32>,
      %get3A_161 = arith.index_cast %add3A_61 : i32 to index
      %get3A_162 = arith.constant 96 : index
      %get3A_163 = tpu.vector_load %arg8[%get3A_161, %get3A_162] {strides = array<i32>} : memref<157x128xi32, #tpu.memory_space<vmem>>, vector<16xi32>,
      %sub3A_164 = vector.broadcast %mul3A_2 : i32 to vector<16xi32>
      %sub3A_165 = arith.subi %get3A_163, %sub3A_164 : vector<16xi32>
      %ge3A_166 = arith.constant 0 : i32
      %ge3A_167 = vector.broadcast %ge3A_166 : i32 to vector<16xi32>
      %ge3A_168 = arith.cmpi sge, %sub3A_165, %ge3A_167 : vector<16xi32>
      %lt3A_169 = arith.constant 5040 : i32
      %lt3A_170 = vector.broadcast %lt3A_169 : i32 to vector<16xi32>
      %lt3A_171 = arith.cmpi slt, %sub3A_165, %lt3A_170 : vector<16xi32>
      %and3A_172 = arith.andi %ge3A_168, %lt3A_171 : vector<16xi1>
      %jit3A_173 = arith.constant 5040 : i32
      %broadcast_in_dim3A_174 = vector.broadcast %jit3A_173 : i32 to vector<16xi32>
      %select_n3A_175 = arith.select %and3A_172, %sub3A_165, %broadcast_in_dim3A_174 : vector<16xi1>, vector<16xi32>
      %swap3A_176 = arith.index_cast %add3A_61 : i32 to index
      %swap3A_177 = arith.constant 96 : index
      %swap3A_178 = tpu.vector_load %arg8[%swap3A_176, %swap3A_177] {strides = array<i32>} : memref<157x128xi32, #tpu.memory_space<vmem>>, vector<16xi32>,
      tpu.vector_store %arg8[%swap3A_176, %swap3A_177], %select_n3A_175 {strides = array<i32>} : memref<157x128xi32, #tpu.memory_space<vmem>>, vector<16xi32>,
      %get3A_179 = arith.index_cast %add3A_61 : i32 to index
      %get3A_180 = arith.constant 112 : index
      %get3A_181 = tpu.vector_load %arg8[%get3A_179, %get3A_180] {strides = array<i32>} : memref<157x128xi32, #tpu.memory_space<vmem>>, vector<16xi32>,
      %sub3A_182 = vector.broadcast %mul3A_2 : i32 to vector<16xi32>
      %sub3A_183 = arith.subi %get3A_181, %sub3A_182 : vector<16xi32>
      %ge3A_184 = arith.constant 0 : i32
      %ge3A_185 = vector.broadcast %ge3A_184 : i32 to vector<16xi32>
      %ge3A_186 = arith.cmpi sge, %sub3A_183, %ge3A_185 : vector<16xi32>
      %lt3A_187 = arith.constant 5040 : i32
      %lt3A_188 = vector.broadcast %lt3A_187 : i32 to vector<16xi32>
      %lt3A_189 = arith.cmpi slt, %sub3A_183, %lt3A_188 : vector<16xi32>
      %and3A_190 = arith.andi %ge3A_186, %lt3A_189 : vector<16xi1>
      %jit3A_191 = arith.constant 5040 : i32
      %broadcast_in_dim3A_192 = vector.broadcast %jit3A_191 : i32 to vector<16xi32>
      %select_n3A_193 = arith.select %and3A_190, %sub3A_183, %broadcast_in_dim3A_192 : vector<16xi1>, vector<16xi32>
      %swap3A_194 = arith.index_cast %add3A_61 : i32 to index
      %swap3A_195 = arith.constant 112 : index
      %swap3A_196 = tpu.vector_load %arg8[%swap3A_194, %swap3A_195] {strides = array<i32>} : memref<157x128xi32, #tpu.memory_space<vmem>>, vector<16xi32>,
      tpu.vector_store %arg8[%swap3A_194, %swap3A_195], %select_n3A_193 {strides = array<i32>} : memref<157x128xi32, #tpu.memory_space<vmem>>, vector<16xi32>,
    }
    %scan3A_6 = arith.constant 157 : i32
    %barrier3A = arith.constant 0 : index
    tpu.barrier barrier_id(%barrier3A)
    %scan3A_7 = arith.constant 0 : i32
    %scan3A_8 = arith.constant 157 : i32
    %scan3A_9 = arith.addi %scan3A_7, %scan3A_8 : i32
    %scan3A_10 = arith.constant 1 : i32
    scf.for %scan3A_57 = %scan3A_7 to %scan3A_9 step %scan3A_10  : i32 {
      %mul3A_58 = arith.constant 1 : i32
      %mul3A_59 = arith.muli %scan3A_57, %mul3A_58 : i32
      %add3A_60 = arith.constant 0 : i32
      %add3A_61 = arith.addi %add3A_60, %mul3A_59 : i32
      %dma_start3A = arith.constant 0 : i32
      %dma_start3A_62 = tpu.memref_slice %arg7[%add3A_61, %dma_start3A] : memref<157x128xi32, #tpu.memory_space<vmem>> -> memref<1x128xi32, #tpu.memory_space<vmem>>
      %dma_start3A_63 = tpu.memref_squeeze %dma_start3A_62 : memref<1x128xi32, #tpu.memory_space<vmem>> -> memref<128xi32, #tpu.memory_space<vmem>>
      %dma_start3A_64 = arith.constant 0 : i32
      %dma_start3A_65 = arith.constant 0 : i32
      %dma_start3A_66 = tpu.memref_slice %arg2[%dma_start3A_64, %dma_start3A_65] : memref<10080x128xf32, #tpu.memory_space<hbm>> -> memref<10080x128xf32, #tpu.memory_space<hbm>>
      tpu.enqueue_indirect_dma source(%dma_start3A_66 : memref<10080x128xf32, #tpu.memory_space<hbm>>) target(%arg9 : memref<128x128xf32, #tpu.memory_space<vmem>>) offsets(%dma_start3A_63 : memref<128xi32, #tpu.memory_space<vmem>>) semaphore(%arg13 : memref<!tpu.dma_semaphore, #tpu.memory_space<semaphore_mem>>)
      %dma_wait3A = arith.constant 0 : i32
      %dma_wait3A_67 = tpu.memref_slice %arg7[%add3A_61, %dma_wait3A] : memref<157x128xi32, #tpu.memory_space<vmem>> -> memref<1x128xi32, #tpu.memory_space<vmem>>
      %dma_wait3A_68 = tpu.memref_squeeze %dma_wait3A_67 : memref<1x128xi32, #tpu.memory_space<vmem>> -> memref<128xi32, #tpu.memory_space<vmem>>
      %dma_wait3A_69 = arith.constant 0 : i32
      %dma_wait3A_70 = arith.constant 0 : i32
      %dma_wait3A_71 = tpu.memref_slice %arg2[%dma_wait3A_69, %dma_wait3A_70] : memref<10080x128xf32, #tpu.memory_space<hbm>> -> memref<10080x128xf32, #tpu.memory_space<hbm>>
      tpu.wait_indirect_dma semaphore(%arg13 : memref<!tpu.dma_semaphore, #tpu.memory_space<semaphore_mem>>) src(%dma_wait3A_71 : memref<10080x128xf32, #tpu.memory_space<hbm>>) dst(%arg9 : memref<128x128xf32, #tpu.memory_space<vmem>>)
      "tpu.region"() ({
        %run_scoped3A = tpu.sem_alloc : memref<!tpu.dma_semaphore, #tpu.memory_space<semaphore_mem>>
        %dma_start3A_72 = arith.constant 0 : i32
        %dma_start3A_73 = tpu.memref_slice %arg8[%add3A_61, %dma_start3A_72] : memref<157x128xi32, #tpu.memory_space<vmem>> -> memref<1x128xi32, #tpu.memory_space<vmem>>
        %dma_start3A_74 = tpu.memref_squeeze %dma_start3A_73 : memref<1x128xi32, #tpu.memory_space<vmem>> -> memref<128xi32, #tpu.memory_space<vmem>>
        %dma_start3A_75 = arith.constant 0 : i32
        %dma_start3A_76 = arith.constant 0 : i32
        %dma_start3A_77 = tpu.memref_slice %arg12[%dma_start3A_75, %dma_start3A_76] : memref<5120x128xf32, #tpu.memory_space<vmem_shared>> -> memref<5120x128xf32, #tpu.memory_space<vmem_shared>>
        tpu.enqueue_indirect_dma source(%arg9 : memref<128x128xf32, #tpu.memory_space<vmem>>) target(%dma_start3A_77 : memref<5120x128xf32, #tpu.memory_space<vmem_shared>>) offsets(%dma_start3A_74 : memref<128xi32, #tpu.memory_space<vmem>>) semaphore(%run_scoped3A : memref<!tpu.dma_semaphore, #tpu.memory_space<semaphore_mem>>) {add = true}
        %dma_wait3A_78 = arith.constant 0 : i32
        %dma_wait3A_79 = tpu.memref_slice %arg8[%add3A_61, %dma_wait3A_78] : memref<157x128xi32, #tpu.memory_space<vmem>> -> memref<1x128xi32, #tpu.memory_space<vmem>>
        %dma_wait3A_80 = tpu.memref_squeeze %dma_wait3A_79 : memref<1x128xi32, #tpu.memory_space<vmem>> -> memref<128xi32, #tpu.memory_space<vmem>>
        %dma_wait3A_81 = arith.constant 0 : i32
        %dma_wait3A_82 = arith.constant 0 : i32
        %dma_wait3A_83 = tpu.memref_slice %arg12[%dma_wait3A_81, %dma_wait3A_82] : memref<5120x128xf32, #tpu.memory_space<vmem_shared>> -> memref<5120x128xf32, #tpu.memory_space<vmem_shared>>
        tpu.wait_indirect_dma semaphore(%run_scoped3A : memref<!tpu.dma_semaphore, #tpu.memory_space<semaphore_mem>>) src(%arg9 : memref<128x128xf32, #tpu.memory_space<vmem>>) dst(%dma_wait3A_83 : memref<5120x128xf32, #tpu.memory_space<vmem_shared>>)
        tpu.yield
      }) : () -> ()
    }
    %scan3A_11 = arith.constant 157 : i32
    %barrier3A_12 = arith.constant 0 : index
    tpu.barrier barrier_id(%barrier3A_12)
    %add3A = arith.constant 0 : i32
    %add3A_13 = arith.addi %mul3A_0, %add3A : i32
    "tpu.region"() ({
      %run_scoped3A = tpu.sem_alloc : memref<!tpu.dma_semaphore, #tpu.memory_space<semaphore_mem>>
      %dma_start3A = arith.constant 0 : i32
      %dma_start3A_57 = tpu.memref_slice %arg12[%add3A_13, %dma_start3A] : memref<5120x128xf32, #tpu.memory_space<vmem_shared>> -> memref<64x128xf32, #tpu.memory_space<vmem_shared>>
      %dma_start3A_58 = arith.constant 0 : i32
      %dma_start3A_59 = tpu.memref_slice %arg12[%add3A_13, %dma_start3A_58] : memref<5120x128xf32, #tpu.memory_space<vmem_shared>> -> memref<64x128xf32, #tpu.memory_space<vmem_shared>>
      tpu.enqueue_dma source(%dma_start3A_59 : memref<64x128xf32, #tpu.memory_space<vmem_shared>>) target(%arg10 : memref<64x128xf32, #tpu.memory_space<vmem>>) target_semaphore(%run_scoped3A : memref<!tpu.dma_semaphore, #tpu.memory_space<semaphore_mem>>)
      %dma_wait3A = arith.constant 0 : i32
      %dma_wait3A_60 = tpu.memref_slice %arg12[%add3A_13, %dma_wait3A] : memref<5120x128xf32, #tpu.memory_space<vmem_shared>> -> memref<64x128xf32, #tpu.memory_space<vmem_shared>>
      %dma_wait3A_61 = arith.constant 0 : i32
      %dma_wait3A_62 = tpu.memref_slice %arg12[%add3A_13, %dma_wait3A_61] : memref<5120x128xf32, #tpu.memory_space<vmem_shared>> -> memref<64x128xf32, #tpu.memory_space<vmem_shared>>
      tpu.wait_dma2 semaphore(%run_scoped3A : memref<!tpu.dma_semaphore, #tpu.memory_space<semaphore_mem>>) src(%dma_wait3A_62 : memref<64x128xf32, #tpu.memory_space<vmem_shared>>) dst(%arg10 : memref<64x128xf32, #tpu.memory_space<vmem>>)
      tpu.yield
    }) : () -> ()
    %scan3A_14 = arith.constant 0 : i32
    %scan3A_15 = arith.constant 64 : i32
    %scan3A_16 = arith.addi %scan3A_14, %scan3A_15 : i32
    %scan3A_17 = arith.constant 1 : i32
    scf.for %scan3A_57 = %scan3A_14 to %scan3A_16 step %scan3A_17  : i32 {
      %mul3A_58 = arith.constant 1 : i32
      %mul3A_59 = arith.muli %scan3A_57, %mul3A_58 : i32
      %add3A_60 = arith.constant 0 : i32
      %add3A_61 = arith.addi %add3A_60, %mul3A_59 : i32
      %get3A = arith.index_cast %add3A_61 : i32 to index
      %get3A_62 = arith.constant 0 : index
      %get3A_63 = tpu.vector_load %arg10[%get3A, %get3A_62] {strides = array<i32>} : memref<64x128xf32, #tpu.memory_space<vmem>>, vector<16xf32>,
      %get3A_64 = arith.index_cast %add3A_61 : i32 to index
      %get3A_65 = arith.constant 16 : index
      %get3A_66 = tpu.vector_load %arg10[%get3A_64, %get3A_65] {strides = array<i32>} : memref<64x128xf32, #tpu.memory_space<vmem>>, vector<16xf32>,
      %bitcast3A = vector.bitcast %get3A_63 : vector<16xf32> to vector<16xi32>
      %bitcast3A_67 = vector.bitcast %get3A_66 : vector<16xf32> to vector<16xi32>
      %add3A_68 = arith.constant 32767 : i32
      %add3A_69 = vector.broadcast %add3A_68 : i32 to vector<16xi32>
      %add3A_70 = arith.addi %bitcast3A, %add3A_69 : vector<16xi32>
      %shift_right_logical3A = arith.constant 16 : i32
      %shift_right_logical3A_71 = vector.broadcast %shift_right_logical3A : i32 to vector<16xi32>
      %shift_right_logical3A_72 = arith.shrui %bitcast3A, %shift_right_logical3A_71 : vector<16xi32>
      %and3A = arith.constant 1 : i32
      %and3A_73 = vector.broadcast %and3A : i32 to vector<16xi32>
      %and3A_74 = arith.andi %shift_right_logical3A_72, %and3A_73 : vector<16xi32>
      %add3A_75 = arith.addi %add3A_70, %and3A_74 : vector<16xi32>
      %add3A_76 = arith.constant 32767 : i32
      %add3A_77 = vector.broadcast %add3A_76 : i32 to vector<16xi32>
      %add3A_78 = arith.addi %bitcast3A_67, %add3A_77 : vector<16xi32>
      %shift_right_logical3A_79 = arith.constant 16 : i32
      %shift_right_logical3A_80 = vector.broadcast %shift_right_logical3A_79 : i32 to vector<16xi32>
      %shift_right_logical3A_81 = arith.shrui %bitcast3A_67, %shift_right_logical3A_80 : vector<16xi32>
      %and3A_82 = arith.constant 1 : i32
      %and3A_83 = vector.broadcast %and3A_82 : i32 to vector<16xi32>
      %and3A_84 = arith.andi %shift_right_logical3A_81, %and3A_83 : vector<16xi32>
      %add3A_85 = arith.addi %add3A_78, %and3A_84 : vector<16xi32>
      %shift_right_logical3A_86 = arith.constant 16 : i32
      %shift_right_logical3A_87 = vector.broadcast %shift_right_logical3A_86 : i32 to vector<16xi32>
      %shift_right_logical3A_88 = arith.shrui %add3A_75, %shift_right_logical3A_87 : vector<16xi32>
      %and3A_89 = arith.constant -65536 : i32
      %and3A_90 = vector.broadcast %and3A_89 : i32 to vector<16xi32>
      %and3A_91 = arith.andi %add3A_85, %and3A_90 : vector<16xi32>
      %or3A = arith.ori %shift_right_logical3A_88, %and3A_91 : vector<16xi32>
      %bitcast3A_92 = vector.bitcast %or3A : vector<16xi32> to vector<16xi32>
      %swap3A = arith.index_cast %add3A_61 : i32 to index
      %swap3A_93 = arith.constant 0 : index
      %swap3A_94 = tpu.vector_load %arg11[%swap3A, %swap3A_93] {strides = array<i32>} : memref<64x64xi32, #tpu.memory_space<vmem>>, vector<16xi32>,
      tpu.vector_store %arg11[%swap3A, %swap3A_93], %bitcast3A_92 {strides = array<i32>} : memref<64x64xi32, #tpu.memory_space<vmem>>, vector<16xi32>,
      %get3A_95 = arith.index_cast %add3A_61 : i32 to index
      %get3A_96 = arith.constant 32 : index
      %get3A_97 = tpu.vector_load %arg10[%get3A_95, %get3A_96] {strides = array<i32>} : memref<64x128xf32, #tpu.memory_space<vmem>>, vector<16xf32>,
      %get3A_98 = arith.index_cast %add3A_61 : i32 to index
      %get3A_99 = arith.constant 48 : index
      %get3A_100 = tpu.vector_load %arg10[%get3A_98, %get3A_99] {strides = array<i32>} : memref<64x128xf32, #tpu.memory_space<vmem>>, vector<16xf32>,
      %bitcast3A_101 = vector.bitcast %get3A_97 : vector<16xf32> to vector<16xi32>
      %bitcast3A_102 = vector.bitcast %get3A_100 : vector<16xf32> to vector<16xi32>
      %add3A_103 = arith.constant 32767 : i32
      %add3A_104 = vector.broadcast %add3A_103 : i32 to vector<16xi32>
      %add3A_105 = arith.addi %bitcast3A_101, %add3A_104 : vector<16xi32>
      %shift_right_logical3A_106 = arith.constant 16 : i32
      %shift_right_logical3A_107 = vector.broadcast %shift_right_logical3A_106 : i32 to vector<16xi32>
      %shift_right_logical3A_108 = arith.shrui %bitcast3A_101, %shift_right_logical3A_107 : vector<16xi32>
      %and3A_109 = arith.constant 1 : i32
      %and3A_110 = vector.broadcast %and3A_109 : i32 to vector<16xi32>
      %and3A_111 = arith.andi %shift_right_logical3A_108, %and3A_110 : vector<16xi32>
      %add3A_112 = arith.addi %add3A_105, %and3A_111 : vector<16xi32>
      %add3A_113 = arith.constant 32767 : i32
      %add3A_114 = vector.broadcast %add3A_113 : i32 to vector<16xi32>
      %add3A_115 = arith.addi %bitcast3A_102, %add3A_114 : vector<16xi32>
      %shift_right_logical3A_116 = arith.constant 16 : i32
      %shift_right_logical3A_117 = vector.broadcast %shift_right_logical3A_116 : i32 to vector<16xi32>
      %shift_right_logical3A_118 = arith.shrui %bitcast3A_102, %shift_right_logical3A_117 : vector<16xi32>
      %and3A_119 = arith.constant 1 : i32
      %and3A_120 = vector.broadcast %and3A_119 : i32 to vector<16xi32>
      %and3A_121 = arith.andi %shift_right_logical3A_118, %and3A_120 : vector<16xi32>
      %add3A_122 = arith.addi %add3A_115, %and3A_121 : vector<16xi32>
      %shift_right_logical3A_123 = arith.constant 16 : i32
      %shift_right_logical3A_124 = vector.broadcast %shift_right_logical3A_123 : i32 to vector<16xi32>
      %shift_right_logical3A_125 = arith.shrui %add3A_112, %shift_right_logical3A_124 : vector<16xi32>
      %and3A_126 = arith.constant -65536 : i32
      %and3A_127 = vector.broadcast %and3A_126 : i32 to vector<16xi32>
      %and3A_128 = arith.andi %add3A_122, %and3A_127 : vector<16xi32>
      %or3A_129 = arith.ori %shift_right_logical3A_125, %and3A_128 : vector<16xi32>
      %bitcast3A_130 = vector.bitcast %or3A_129 : vector<16xi32> to vector<16xi32>
      %swap3A_131 = arith.index_cast %add3A_61 : i32 to index
      %swap3A_132 = arith.constant 16 : index
      %swap3A_133 = tpu.vector_load %arg11[%swap3A_131, %swap3A_132] {strides = array<i32>} : memref<64x64xi32, #tpu.memory_space<vmem>>, vector<16xi32>,
      tpu.vector_store %arg11[%swap3A_131, %swap3A_132], %bitcast3A_130 {strides = array<i32>} : memref<64x64xi32, #tpu.memory_space<vmem>>, vector<16xi32>,
      %get3A_134 = arith.index_cast %add3A_61 : i32 to index
      %get3A_135 = arith.constant 64 : index
      %get3A_136 = tpu.vector_load %arg10[%get3A_134, %get3A_135] {strides = array<i32>} : memref<64x128xf32, #tpu.memory_space<vmem>>, vector<16xf32>,
      %get3A_137 = arith.index_cast %add3A_61 : i32 to index
      %get3A_138 = arith.constant 80 : index
      %get3A_139 = tpu.vector_load %arg10[%get3A_137, %get3A_138] {strides = array<i32>} : memref<64x128xf32, #tpu.memory_space<vmem>>, vector<16xf32>,
      %bitcast3A_140 = vector.bitcast %get3A_136 : vector<16xf32> to vector<16xi32>
      %bitcast3A_141 = vector.bitcast %get3A_139 : vector<16xf32> to vector<16xi32>
      %add3A_142 = arith.constant 32767 : i32
      %add3A_143 = vector.broadcast %add3A_142 : i32 to vector<16xi32>
      %add3A_144 = arith.addi %bitcast3A_140, %add3A_143 : vector<16xi32>
      %shift_right_logical3A_145 = arith.constant 16 : i32
      %shift_right_logical3A_146 = vector.broadcast %shift_right_logical3A_145 : i32 to vector<16xi32>
      %shift_right_logical3A_147 = arith.shrui %bitcast3A_140, %shift_right_logical3A_146 : vector<16xi32>
      %and3A_148 = arith.constant 1 : i32
      %and3A_149 = vector.broadcast %and3A_148 : i32 to vector<16xi32>
      %and3A_150 = arith.andi %shift_right_logical3A_147, %and3A_149 : vector<16xi32>
      %add3A_151 = arith.addi %add3A_144, %and3A_150 : vector<16xi32>
      %add3A_152 = arith.constant 32767 : i32
      %add3A_153 = vector.broadcast %add3A_152 : i32 to vector<16xi32>
      %add3A_154 = arith.addi %bitcast3A_141, %add3A_153 : vector<16xi32>
      %shift_right_logical3A_155 = arith.constant 16 : i32
      %shift_right_logical3A_156 = vector.broadcast %shift_right_logical3A_155 : i32 to vector<16xi32>
      %shift_right_logical3A_157 = arith.shrui %bitcast3A_141, %shift_right_logical3A_156 : vector<16xi32>
      %and3A_158 = arith.constant 1 : i32
      %and3A_159 = vector.broadcast %and3A_158 : i32 to vector<16xi32>
      %and3A_160 = arith.andi %shift_right_logical3A_157, %and3A_159 : vector<16xi32>
      %add3A_161 = arith.addi %add3A_154, %and3A_160 : vector<16xi32>
      %shift_right_logical3A_162 = arith.constant 16 : i32
      %shift_right_logical3A_163 = vector.broadcast %shift_right_logical3A_162 : i32 to vector<16xi32>
      %shift_right_logical3A_164 = arith.shrui %add3A_151, %shift_right_logical3A_163 : vector<16xi32>
      %and3A_165 = arith.constant -65536 : i32
      %and3A_166 = vector.broadcast %and3A_165 : i32 to vector<16xi32>
      %and3A_167 = arith.andi %add3A_161, %and3A_166 : vector<16xi32>
      %or3A_168 = arith.ori %shift_right_logical3A_164, %and3A_167 : vector<16xi32>
      %bitcast3A_169 = vector.bitcast %or3A_168 : vector<16xi32> to vector<16xi32>
      %swap3A_170 = arith.index_cast %add3A_61 : i32 to index
      %swap3A_171 = arith.constant 32 : index
      %swap3A_172 = tpu.vector_load %arg11[%swap3A_170, %swap3A_171] {strides = array<i32>} : memref<64x64xi32, #tpu.memory_space<vmem>>, vector<16xi32>,
      tpu.vector_store %arg11[%swap3A_170, %swap3A_171], %bitcast3A_169 {strides = array<i32>} : memref<64x64xi32, #tpu.memory_space<vmem>>, vector<16xi32>,
      %get3A_173 = arith.index_cast %add3A_61 : i32 to index
      %get3A_174 = arith.constant 96 : index
      %get3A_175 = tpu.vector_load %arg10[%get3A_173, %get3A_174] {strides = array<i32>} : memref<64x128xf32, #tpu.memory_space<vmem>>, vector<16xf32>,
      %get3A_176 = arith.index_cast %add3A_61 : i32 to index
      %get3A_177 = arith.constant 112 : index
      %get3A_178 = tpu.vector_load %arg10[%get3A_176, %get3A_177] {strides = array<i32>} : memref<64x128xf32, #tpu.memory_space<vmem>>, vector<16xf32>,
      %bitcast3A_179 = vector.bitcast %get3A_175 : vector<16xf32> to vector<16xi32>
      %bitcast3A_180 = vector.bitcast %get3A_178 : vector<16xf32> to vector<16xi32>
      %add3A_181 = arith.constant 32767 : i32
      %add3A_182 = vector.broadcast %add3A_181 : i32 to vector<16xi32>
      %add3A_183 = arith.addi %bitcast3A_179, %add3A_182 : vector<16xi32>
      %shift_right_logical3A_184 = arith.constant 16 : i32
      %shift_right_logical3A_185 = vector.broadcast %shift_right_logical3A_184 : i32 to vector<16xi32>
      %shift_right_logical3A_186 = arith.shrui %bitcast3A_179, %shift_right_logical3A_185 : vector<16xi32>
      %and3A_187 = arith.constant 1 : i32
      %and3A_188 = vector.broadcast %and3A_187 : i32 to vector<16xi32>
      %and3A_189 = arith.andi %shift_right_logical3A_186, %and3A_188 : vector<16xi32>
      %add3A_190 = arith.addi %add3A_183, %and3A_189 : vector<16xi32>
      %add3A_191 = arith.constant 32767 : i32
      %add3A_192 = vector.broadcast %add3A_191 : i32 to vector<16xi32>
      %add3A_193 = arith.addi %bitcast3A_180, %add3A_192 : vector<16xi32>
      %shift_right_logical3A_194 = arith.constant 16 : i32
      %shift_right_logical3A_195 = vector.broadcast %shift_right_logical3A_194 : i32 to vector<16xi32>
      %shift_right_logical3A_196 = arith.shrui %bitcast3A_180, %shift_right_logical3A_195 : vector<16xi32>
      %and3A_197 = arith.constant 1 : i32
      %and3A_198 = vector.broadcast %and3A_197 : i32 to vector<16xi32>
      %and3A_199 = arith.andi %shift_right_logical3A_196, %and3A_198 : vector<16xi32>
      %add3A_200 = arith.addi %add3A_193, %and3A_199 : vector<16xi32>
      %shift_right_logical3A_201 = arith.constant 16 : i32
      %shift_right_logical3A_202 = vector.broadcast %shift_right_logical3A_201 : i32 to vector<16xi32>
      %shift_right_logical3A_203 = arith.shrui %add3A_190, %shift_right_logical3A_202 : vector<16xi32>
      %and3A_204 = arith.constant -65536 : i32
      %and3A_205 = vector.broadcast %and3A_204 : i32 to vector<16xi32>
      %and3A_206 = arith.andi %add3A_200, %and3A_205 : vector<16xi32>
      %or3A_207 = arith.ori %shift_right_logical3A_203, %and3A_206 : vector<16xi32>
      %bitcast3A_208 = vector.bitcast %or3A_207 : vector<16xi32> to vector<16xi32>
      %swap3A_209 = arith.index_cast %add3A_61 : i32 to index
      %swap3A_210 = arith.constant 48 : index
      %swap3A_211 = tpu.vector_load %arg11[%swap3A_209, %swap3A_210] {strides = array<i32>} : memref<64x64xi32, #tpu.memory_space<vmem>>, vector<16xi32>,
      tpu.vector_store %arg11[%swap3A_209, %swap3A_210], %bitcast3A_208 {strides = array<i32>} : memref<64x64xi32, #tpu.memory_space<vmem>>, vector<16xi32>,
    }
    %scan3A_18 = arith.constant 64 : i32
    %add3A_19 = arith.constant 0 : i32
    %add3A_20 = arith.addi %mul3A_0, %add3A_19 : i32
    "tpu.region"() ({
      %run_scoped3A = tpu.sem_alloc : memref<!tpu.dma_semaphore, #tpu.memory_space<semaphore_mem>>
      %dma_start3A = arith.constant 0 : i32
      %dma_start3A_57 = tpu.memref_slice %arg6[%arg0, %add3A_20, %dma_start3A] : memref<2x5120x64xi32, #tpu.memory_space<hbm>> -> memref<1x64x64xi32, #tpu.memory_space<hbm>>
      %dma_start3A_58 = tpu.memref_squeeze %dma_start3A_57 : memref<1x64x64xi32, #tpu.memory_space<hbm>> -> memref<64x64xi32, #tpu.memory_space<hbm>>
      %dma_start3A_59 = arith.constant 0 : i32
      %dma_start3A_60 = tpu.memref_slice %arg6[%arg0, %add3A_20, %dma_start3A_59] : memref<2x5120x64xi32, #tpu.memory_space<hbm>> -> memref<1x64x64xi32, #tpu.memory_space<hbm>>
      %dma_start3A_61 = tpu.memref_squeeze %dma_start3A_60 : memref<1x64x64xi32, #tpu.memory_space<hbm>> -> memref<64x64xi32, #tpu.memory_space<hbm>>
      tpu.enqueue_dma source(%arg11 : memref<64x64xi32, #tpu.memory_space<vmem>>) target(%dma_start3A_61 : memref<64x64xi32, #tpu.memory_space<hbm>>) target_semaphore(%run_scoped3A : memref<!tpu.dma_semaphore, #tpu.memory_space<semaphore_mem>>)
      %dma_wait3A = arith.constant 0 : i32
      %dma_wait3A_62 = tpu.memref_slice %arg6[%arg0, %add3A_20, %dma_wait3A] : memref<2x5120x64xi32, #tpu.memory_space<hbm>> -> memref<1x64x64xi32, #tpu.memory_space<hbm>>
      %dma_wait3A_63 = tpu.memref_squeeze %dma_wait3A_62 : memref<1x64x64xi32, #tpu.memory_space<hbm>> -> memref<64x64xi32, #tpu.memory_space<hbm>>
      %dma_wait3A_64 = arith.constant 0 : i32
      %dma_wait3A_65 = tpu.memref_slice %arg6[%arg0, %add3A_20, %dma_wait3A_64] : memref<2x5120x64xi32, #tpu.memory_space<hbm>> -> memref<1x64x64xi32, #tpu.memory_space<hbm>>
      %dma_wait3A_66 = tpu.memref_squeeze %dma_wait3A_65 : memref<1x64x64xi32, #tpu.memory_space<hbm>> -> memref<64x64xi32, #tpu.memory_space<hbm>>
      tpu.wait_dma2 semaphore(%run_scoped3A : memref<!tpu.dma_semaphore, #tpu.memory_space<semaphore_mem>>) src(%arg11 : memref<64x64xi32, #tpu.memory_space<vmem>>) dst(%dma_wait3A_66 : memref<64x64xi32, #tpu.memory_space<hbm>>)
      tpu.yield
    }) : () -> ()
    %add3A_21 = arith.constant 64 : i32
    %add3A_22 = arith.addi %mul3A_0, %add3A_21 : i32
    "tpu.region"() ({
      %run_scoped3A = tpu.sem_alloc : memref<!tpu.dma_semaphore, #tpu.memory_space<semaphore_mem>>
      %dma_start3A = arith.constant 0 : i32
      %dma_start3A_57 = tpu.memref_slice %arg12[%add3A_22, %dma_start3A] : memref<5120x128xf32, #tpu.memory_space<vmem_shared>> -> memref<64x128xf32, #tpu.memory_space<vmem_shared>>
      %dma_start3A_58 = arith.constant 0 : i32
      %dma_start3A_59 = tpu.memref_slice %arg12[%add3A_22, %dma_start3A_58] : memref<5120x128xf32, #tpu.memory_space<vmem_shared>> -> memref<64x128xf32, #tpu.memory_space<vmem_shared>>
      tpu.enqueue_dma source(%dma_start3A_59 : memref<64x128xf32, #tpu.memory_space<vmem_shared>>) target(%arg10 : memref<64x128xf32, #tpu.memory_space<vmem>>) target_semaphore(%run_scoped3A : memref<!tpu.dma_semaphore, #tpu.memory_space<semaphore_mem>>)
      %dma_wait3A = arith.constant 0 : i32
      %dma_wait3A_60 = tpu.memref_slice %arg12[%add3A_22, %dma_wait3A] : memref<5120x128xf32, #tpu.memory_space<vmem_shared>> -> memref<64x128xf32, #tpu.memory_space<vmem_shared>>
      %dma_wait3A_61 = arith.constant 0 : i32
      %dma_wait3A_62 = tpu.memref_slice %arg12[%add3A_22, %dma_wait3A_61] : memref<5120x128xf32, #tpu.memory_space<vmem_shared>> -> memref<64x128xf32, #tpu.memory_space<vmem_shared>>
      tpu.wait_dma2 semaphore(%run_scoped3A : memref<!tpu.dma_semaphore, #tpu.memory_space<semaphore_mem>>) src(%dma_wait3A_62 : memref<64x128xf32, #tpu.memory_space<vmem_shared>>) dst(%arg10 : memref<64x128xf32, #tpu.memory_space<vmem>>)
      tpu.yield
    }) : () -> ()
    %scan3A_23 = arith.constant 0 : i32
    %scan3A_24 = arith.constant 64 : i32
    %scan3A_25 = arith.addi %scan3A_23, %scan3A_24 : i32
    %scan3A_26 = arith.constant 1 : i32
    scf.for %scan3A_57 = %scan3A_23 to %scan3A_25 step %scan3A_26  : i32 {
      %mul3A_58 = arith.constant 1 : i32
      %mul3A_59 = arith.muli %scan3A_57, %mul3A_58 : i32
      %add3A_60 = arith.constant 0 : i32
      %add3A_61 = arith.addi %add3A_60, %mul3A_59 : i32
      %get3A = arith.index_cast %add3A_61 : i32 to index
      %get3A_62 = arith.constant 0 : index
      %get3A_63 = tpu.vector_load %arg10[%get3A, %get3A_62] {strides = array<i32>} : memref<64x128xf32, #tpu.memory_space<vmem>>, vector<16xf32>,
      %get3A_64 = arith.index_cast %add3A_61 : i32 to index
      %get3A_65 = arith.constant 16 : index
      %get3A_66 = tpu.vector_load %arg10[%get3A_64, %get3A_65] {strides = array<i32>} : memref<64x128xf32, #tpu.memory_space<vmem>>, vector<16xf32>,
      %bitcast3A = vector.bitcast %get3A_63 : vector<16xf32> to vector<16xi32>
      %bitcast3A_67 = vector.bitcast %get3A_66 : vector<16xf32> to vector<16xi32>
      %add3A_68 = arith.constant 32767 : i32
      %add3A_69 = vector.broadcast %add3A_68 : i32 to vector<16xi32>
      %add3A_70 = arith.addi %bitcast3A, %add3A_69 : vector<16xi32>
      %shift_right_logical3A = arith.constant 16 : i32
      %shift_right_logical3A_71 = vector.broadcast %shift_right_logical3A : i32 to vector<16xi32>
      %shift_right_logical3A_72 = arith.shrui %bitcast3A, %shift_right_logical3A_71 : vector<16xi32>
      %and3A = arith.constant 1 : i32
      %and3A_73 = vector.broadcast %and3A : i32 to vector<16xi32>
      %and3A_74 = arith.andi %shift_right_logical3A_72, %and3A_73 : vector<16xi32>
      %add3A_75 = arith.addi %add3A_70, %and3A_74 : vector<16xi32>
      %add3A_76 = arith.constant 32767 : i32
      %add3A_77 = vector.broadcast %add3A_76 : i32 to vector<16xi32>
      %add3A_78 = arith.addi %bitcast3A_67, %add3A_77 : vector<16xi32>
      %shift_right_logical3A_79 = arith.constant 16 : i32
      %shift_right_logical3A_80 = vector.broadcast %shift_right_logical3A_79 : i32 to vector<16xi32>
      %shift_right_logical3A_81 = arith.shrui %bitcast3A_67, %shift_right_logical3A_80 : vector<16xi32>
      %and3A_82 = arith.constant 1 : i32
      %and3A_83 = vector.broadcast %and3A_82 : i32 to vector<16xi32>
      %and3A_84 = arith.andi %shift_right_logical3A_81, %and3A_83 : vector<16xi32>
      %add3A_85 = arith.addi %add3A_78, %and3A_84 : vector<16xi32>
      %shift_right_logical3A_86 = arith.constant 16 : i32
      %shift_right_logical3A_87 = vector.broadcast %shift_right_logical3A_86 : i32 to vector<16xi32>
      %shift_right_logical3A_88 = arith.shrui %add3A_75, %shift_right_logical3A_87 : vector<16xi32>
      %and3A_89 = arith.constant -65536 : i32
      %and3A_90 = vector.broadcast %and3A_89 : i32 to vector<16xi32>
      %and3A_91 = arith.andi %add3A_85, %and3A_90 : vector<16xi32>
      %or3A = arith.ori %shift_right_logical3A_88, %and3A_91 : vector<16xi32>
      %bitcast3A_92 = vector.bitcast %or3A : vector<16xi32> to vector<16xi32>
      %swap3A = arith.index_cast %add3A_61 : i32 to index
      %swap3A_93 = arith.constant 0 : index
      %swap3A_94 = tpu.vector_load %arg11[%swap3A, %swap3A_93] {strides = array<i32>} : memref<64x64xi32, #tpu.memory_space<vmem>>, vector<16xi32>,
      tpu.vector_store %arg11[%swap3A, %swap3A_93], %bitcast3A_92 {strides = array<i32>} : memref<64x64xi32, #tpu.memory_space<vmem>>, vector<16xi32>,
      %get3A_95 = arith.index_cast %add3A_61 : i32 to index
      %get3A_96 = arith.constant 32 : index
      %get3A_97 = tpu.vector_load %arg10[%get3A_95, %get3A_96] {strides = array<i32>} : memref<64x128xf32, #tpu.memory_space<vmem>>, vector<16xf32>,
      %get3A_98 = arith.index_cast %add3A_61 : i32 to index
      %get3A_99 = arith.constant 48 : index
      %get3A_100 = tpu.vector_load %arg10[%get3A_98, %get3A_99] {strides = array<i32>} : memref<64x128xf32, #tpu.memory_space<vmem>>, vector<16xf32>,
      %bitcast3A_101 = vector.bitcast %get3A_97 : vector<16xf32> to vector<16xi32>
      %bitcast3A_102 = vector.bitcast %get3A_100 : vector<16xf32> to vector<16xi32>
      %add3A_103 = arith.constant 32767 : i32
      %add3A_104 = vector.broadcast %add3A_103 : i32 to vector<16xi32>
      %add3A_105 = arith.addi %bitcast3A_101, %add3A_104 : vector<16xi32>
      %shift_right_logical3A_106 = arith.constant 16 : i32
      %shift_right_logical3A_107 = vector.broadcast %shift_right_logical3A_106 : i32 to vector<16xi32>
      %shift_right_logical3A_108 = arith.shrui %bitcast3A_101, %shift_right_logical3A_107 : vector<16xi32>
      %and3A_109 = arith.constant 1 : i32
      %and3A_110 = vector.broadcast %and3A_109 : i32 to vector<16xi32>
      %and3A_111 = arith.andi %shift_right_logical3A_108, %and3A_110 : vector<16xi32>
      %add3A_112 = arith.addi %add3A_105, %and3A_111 : vector<16xi32>
      %add3A_113 = arith.constant 32767 : i32
      %add3A_114 = vector.broadcast %add3A_113 : i32 to vector<16xi32>
      %add3A_115 = arith.addi %bitcast3A_102, %add3A_114 : vector<16xi32>
      %shift_right_logical3A_116 = arith.constant 16 : i32
      %shift_right_logical3A_117 = vector.broadcast %shift_right_logical3A_116 : i32 to vector<16xi32>
      %shift_right_logical3A_118 = arith.shrui %bitcast3A_102, %shift_right_logical3A_117 : vector<16xi32>
      %and3A_119 = arith.constant 1 : i32
      %and3A_120 = vector.broadcast %and3A_119 : i32 to vector<16xi32>
      %and3A_121 = arith.andi %shift_right_logical3A_118, %and3A_120 : vector<16xi32>
      %add3A_122 = arith.addi %add3A_115, %and3A_121 : vector<16xi32>
      %shift_right_logical3A_123 = arith.constant 16 : i32
      %shift_right_logical3A_124 = vector.broadcast %shift_right_logical3A_123 : i32 to vector<16xi32>
      %shift_right_logical3A_125 = arith.shrui %add3A_112, %shift_right_logical3A_124 : vector<16xi32>
      %and3A_126 = arith.constant -65536 : i32
      %and3A_127 = vector.broadcast %and3A_126 : i32 to vector<16xi32>
      %and3A_128 = arith.andi %add3A_122, %and3A_127 : vector<16xi32>
      %or3A_129 = arith.ori %shift_right_logical3A_125, %and3A_128 : vector<16xi32>
      %bitcast3A_130 = vector.bitcast %or3A_129 : vector<16xi32> to vector<16xi32>
      %swap3A_131 = arith.index_cast %add3A_61 : i32 to index
      %swap3A_132 = arith.constant 16 : index
      %swap3A_133 = tpu.vector_load %arg11[%swap3A_131, %swap3A_132] {strides = array<i32>} : memref<64x64xi32, #tpu.memory_space<vmem>>, vector<16xi32>,
      tpu.vector_store %arg11[%swap3A_131, %swap3A_132], %bitcast3A_130 {strides = array<i32>} : memref<64x64xi32, #tpu.memory_space<vmem>>, vector<16xi32>,
      %get3A_134 = arith.index_cast %add3A_61 : i32 to index
      %get3A_135 = arith.constant 64 : index
      %get3A_136 = tpu.vector_load %arg10[%get3A_134, %get3A_135] {strides = array<i32>} : memref<64x128xf32, #tpu.memory_space<vmem>>, vector<16xf32>,
      %get3A_137 = arith.index_cast %add3A_61 : i32 to index
      %get3A_138 = arith.constant 80 : index
      %get3A_139 = tpu.vector_load %arg10[%get3A_137, %get3A_138] {strides = array<i32>} : memref<64x128xf32, #tpu.memory_space<vmem>>, vector<16xf32>,
      %bitcast3A_140 = vector.bitcast %get3A_136 : vector<16xf32> to vector<16xi32>
      %bitcast3A_141 = vector.bitcast %get3A_139 : vector<16xf32> to vector<16xi32>
      %add3A_142 = arith.constant 32767 : i32
      %add3A_143 = vector.broadcast %add3A_142 : i32 to vector<16xi32>
      %add3A_144 = arith.addi %bitcast3A_140, %add3A_143 : vector<16xi32>
      %shift_right_logical3A_145 = arith.constant 16 : i32
      %shift_right_logical3A_146 = vector.broadcast %shift_right_logical3A_145 : i32 to vector<16xi32>
      %shift_right_logical3A_147 = arith.shrui %bitcast3A_140, %shift_right_logical3A_146 : vector<16xi32>
      %and3A_148 = arith.constant 1 : i32
      %and3A_149 = vector.broadcast %and3A_148 : i32 to vector<16xi32>
      %and3A_150 = arith.andi %shift_right_logical3A_147, %and3A_149 : vector<16xi32>
      %add3A_151 = arith.addi %add3A_144, %and3A_150 : vector<16xi32>
      %add3A_152 = arith.constant 32767 : i32
      %add3A_153 = vector.broadcast %add3A_152 : i32 to vector<16xi32>
      %add3A_154 = arith.addi %bitcast3A_141, %add3A_153 : vector<16xi32>
      %shift_right_logical3A_155 = arith.constant 16 : i32
      %shift_right_logical3A_156 = vector.broadcast %shift_right_logical3A_155 : i32 to vector<16xi32>
      %shift_right_logical3A_157 = arith.shrui %bitcast3A_141, %shift_right_logical3A_156 : vector<16xi32>
      %and3A_158 = arith.constant 1 : i32
      %and3A_159 = vector.broadcast %and3A_158 : i32 to vector<16xi32>
      %and3A_160 = arith.andi %shift_right_logical3A_157, %and3A_159 : vector<16xi32>
      %add3A_161 = arith.addi %add3A_154, %and3A_160 : vector<16xi32>
      %shift_right_logical3A_162 = arith.constant 16 : i32
      %shift_right_logical3A_163 = vector.broadcast %shift_right_logical3A_162 : i32 to vector<16xi32>
      %shift_right_logical3A_164 = arith.shrui %add3A_151, %shift_right_logical3A_163 : vector<16xi32>
      %and3A_165 = arith.constant -65536 : i32
      %and3A_166 = vector.broadcast %and3A_165 : i32 to vector<16xi32>
      %and3A_167 = arith.andi %add3A_161, %and3A_166 : vector<16xi32>
      %or3A_168 = arith.ori %shift_right_logical3A_164, %and3A_167 : vector<16xi32>
      %bitcast3A_169 = vector.bitcast %or3A_168 : vector<16xi32> to vector<16xi32>
      %swap3A_170 = arith.index_cast %add3A_61 : i32 to index
      %swap3A_171 = arith.constant 32 : index
      %swap3A_172 = tpu.vector_load %arg11[%swap3A_170, %swap3A_171] {strides = array<i32>} : memref<64x64xi32, #tpu.memory_space<vmem>>, vector<16xi32>,
      tpu.vector_store %arg11[%swap3A_170, %swap3A_171], %bitcast3A_169 {strides = array<i32>} : memref<64x64xi32, #tpu.memory_space<vmem>>, vector<16xi32>,
      %get3A_173 = arith.index_cast %add3A_61 : i32 to index
      %get3A_174 = arith.constant 96 : index
      %get3A_175 = tpu.vector_load %arg10[%get3A_173, %get3A_174] {strides = array<i32>} : memref<64x128xf32, #tpu.memory_space<vmem>>, vector<16xf32>,
      %get3A_176 = arith.index_cast %add3A_61 : i32 to index
      %get3A_177 = arith.constant 112 : index
      %get3A_178 = tpu.vector_load %arg10[%get3A_176, %get3A_177] {strides = array<i32>} : memref<64x128xf32, #tpu.memory_space<vmem>>, vector<16xf32>,
      %bitcast3A_179 = vector.bitcast %get3A_175 : vector<16xf32> to vector<16xi32>
      %bitcast3A_180 = vector.bitcast %get3A_178 : vector<16xf32> to vector<16xi32>
      %add3A_181 = arith.constant 32767 : i32
      %add3A_182 = vector.broadcast %add3A_181 : i32 to vector<16xi32>
      %add3A_183 = arith.addi %bitcast3A_179, %add3A_182 : vector<16xi32>
      %shift_right_logical3A_184 = arith.constant 16 : i32
      %shift_right_logical3A_185 = vector.broadcast %shift_right_logical3A_184 : i32 to vector<16xi32>
      %shift_right_logical3A_186 = arith.shrui %bitcast3A_179, %shift_right_logical3A_185 : vector<16xi32>
      %and3A_187 = arith.constant 1 : i32
      %and3A_188 = vector.broadcast %and3A_187 : i32 to vector<16xi32>
      %and3A_189 = arith.andi %shift_right_logical3A_186, %and3A_188 : vector<16xi32>
      %add3A_190 = arith.addi %add3A_183, %and3A_189 : vector<16xi32>
      %add3A_191 = arith.constant 32767 : i32
      %add3A_192 = vector.broadcast %add3A_191 : i32 to vector<16xi32>
      %add3A_193 = arith.addi %bitcast3A_180, %add3A_192 : vector<16xi32>
      %shift_right_logical3A_194 = arith.constant 16 : i32
      %shift_right_logical3A_195 = vector.broadcast %shift_right_logical3A_194 : i32 to vector<16xi32>
      %shift_right_logical3A_196 = arith.shrui %bitcast3A_180, %shift_right_logical3A_195 : vector<16xi32>
      %and3A_197 = arith.constant 1 : i32
      %and3A_198 = vector.broadcast %and3A_197 : i32 to vector<16xi32>
      %and3A_199 = arith.andi %shift_right_logical3A_196, %and3A_198 : vector<16xi32>
      %add3A_200 = arith.addi %add3A_193, %and3A_199 : vector<16xi32>
      %shift_right_logical3A_201 = arith.constant 16 : i32
      %shift_right_logical3A_202 = vector.broadcast %shift_right_logical3A_201 : i32 to vector<16xi32>
      %shift_right_logical3A_203 = arith.shrui %add3A_190, %shift_right_logical3A_202 : vector<16xi32>
      %and3A_204 = arith.constant -65536 : i32
      %and3A_205 = vector.broadcast %and3A_204 : i32 to vector<16xi32>
      %and3A_206 = arith.andi %add3A_200, %and3A_205 : vector<16xi32>
      %or3A_207 = arith.ori %shift_right_logical3A_203, %and3A_206 : vector<16xi32>
      %bitcast3A_208 = vector.bitcast %or3A_207 : vector<16xi32> to vector<16xi32>
      %swap3A_209 = arith.index_cast %add3A_61 : i32 to index
      %swap3A_210 = arith.constant 48 : index
      %swap3A_211 = tpu.vector_load %arg11[%swap3A_209, %swap3A_210] {strides = array<i32>} : memref<64x64xi32, #tpu.memory_space<vmem>>, vector<16xi32>,
      tpu.vector_store %arg11[%swap3A_209, %swap3A_210], %bitcast3A_208 {strides = array<i32>} : memref<64x64xi32, #tpu.memory_space<vmem>>, vector<16xi32>,
    }
    %scan3A_27 = arith.constant 64 : i32
    %add3A_28 = arith.constant 64 : i32
    %add3A_29 = arith.addi %mul3A_0, %add3A_28 : i32
    "tpu.region"() ({
      %run_scoped3A = tpu.sem_alloc : memref<!tpu.dma_semaphore, #tpu.memory_space<semaphore_mem>>
      %dma_start3A = arith.constant 0 : i32
      %dma_start3A_57 = tpu.memref_slice %arg6[%arg0, %add3A_29, %dma_start3A] : memref<2x5120x64xi32, #tpu.memory_space<hbm>> -> memref<1x64x64xi32, #tpu.memory_space<hbm>>
      %dma_start3A_58 = tpu.memref_squeeze %dma_start3A_57 : memref<1x64x64xi32, #tpu.memory_space<hbm>> -> memref<64x64xi32, #tpu.memory_space<hbm>>
      %dma_start3A_59 = arith.constant 0 : i32
      %dma_start3A_60 = tpu.memref_slice %arg6[%arg0, %add3A_29, %dma_start3A_59] : memref<2x5120x64xi32, #tpu.memory_space<hbm>> -> memref<1x64x64xi32, #tpu.memory_space<hbm>>
      %dma_start3A_61 = tpu.memref_squeeze %dma_start3A_60 : memref<1x64x64xi32, #tpu.memory_space<hbm>> -> memref<64x64xi32, #tpu.memory_space<hbm>>
      tpu.enqueue_dma source(%arg11 : memref<64x64xi32, #tpu.memory_space<vmem>>) target(%dma_start3A_61 : memref<64x64xi32, #tpu.memory_space<hbm>>) target_semaphore(%run_scoped3A : memref<!tpu.dma_semaphore, #tpu.memory_space<semaphore_mem>>)
      %dma_wait3A = arith.constant 0 : i32
      %dma_wait3A_62 = tpu.memref_slice %arg6[%arg0, %add3A_29, %dma_wait3A] : memref<2x5120x64xi32, #tpu.memory_space<hbm>> -> memref<1x64x64xi32, #tpu.memory_space<hbm>>
      %dma_wait3A_63 = tpu.memref_squeeze %dma_wait3A_62 : memref<1x64x64xi32, #tpu.memory_space<hbm>> -> memref<64x64xi32, #tpu.memory_space<hbm>>
      %dma_wait3A_64 = arith.constant 0 : i32
      %dma_wait3A_65 = tpu.memref_slice %arg6[%arg0, %add3A_29, %dma_wait3A_64] : memref<2x5120x64xi32, #tpu.memory_space<hbm>> -> memref<1x64x64xi32, #tpu.memory_space<hbm>>
      %dma_wait3A_66 = tpu.memref_squeeze %dma_wait3A_65 : memref<1x64x64xi32, #tpu.memory_space<hbm>> -> memref<64x64xi32, #tpu.memory_space<hbm>>
      tpu.wait_dma2 semaphore(%run_scoped3A : memref<!tpu.dma_semaphore, #tpu.memory_space<semaphore_mem>>) src(%arg11 : memref<64x64xi32, #tpu.memory_space<vmem>>) dst(%dma_wait3A_66 : memref<64x64xi32, #tpu.memory_space<hbm>>)
      tpu.yield
    }) : () -> ()
    %add3A_30 = arith.constant 128 : i32
    %add3A_31 = arith.addi %mul3A_0, %add3A_30 : i32
    "tpu.region"() ({
      %run_scoped3A = tpu.sem_alloc : memref<!tpu.dma_semaphore, #tpu.memory_space<semaphore_mem>>
      %dma_start3A = arith.constant 0 : i32
      %dma_start3A_57 = tpu.memref_slice %arg12[%add3A_31, %dma_start3A] : memref<5120x128xf32, #tpu.memory_space<vmem_shared>> -> memref<64x128xf32, #tpu.memory_space<vmem_shared>>
      %dma_start3A_58 = arith.constant 0 : i32
      %dma_start3A_59 = tpu.memref_slice %arg12[%add3A_31, %dma_start3A_58] : memref<5120x128xf32, #tpu.memory_space<vmem_shared>> -> memref<64x128xf32, #tpu.memory_space<vmem_shared>>
      tpu.enqueue_dma source(%dma_start3A_59 : memref<64x128xf32, #tpu.memory_space<vmem_shared>>) target(%arg10 : memref<64x128xf32, #tpu.memory_space<vmem>>) target_semaphore(%run_scoped3A : memref<!tpu.dma_semaphore, #tpu.memory_space<semaphore_mem>>)
      %dma_wait3A = arith.constant 0 : i32
      %dma_wait3A_60 = tpu.memref_slice %arg12[%add3A_31, %dma_wait3A] : memref<5120x128xf32, #tpu.memory_space<vmem_shared>> -> memref<64x128xf32, #tpu.memory_space<vmem_shared>>
      %dma_wait3A_61 = arith.constant 0 : i32
      %dma_wait3A_62 = tpu.memref_slice %arg12[%add3A_31, %dma_wait3A_61] : memref<5120x128xf32, #tpu.memory_space<vmem_shared>> -> memref<64x128xf32, #tpu.memory_space<vmem_shared>>
      tpu.wait_dma2 semaphore(%run_scoped3A : memref<!tpu.dma_semaphore, #tpu.memory_space<semaphore_mem>>) src(%dma_wait3A_62 : memref<64x128xf32, #tpu.memory_space<vmem_shared>>) dst(%arg10 : memref<64x128xf32, #tpu.memory_space<vmem>>)
      tpu.yield
    }) : () -> ()
    %scan3A_32 = arith.constant 0 : i32
    %scan3A_33 = arith.constant 64 : i32
    %scan3A_34 = arith.addi %scan3A_32, %scan3A_33 : i32
    %scan3A_35 = arith.constant 1 : i32
    scf.for %scan3A_57 = %scan3A_32 to %scan3A_34 step %scan3A_35  : i32 {
      %mul3A_58 = arith.constant 1 : i32
      %mul3A_59 = arith.muli %scan3A_57, %mul3A_58 : i32
      %add3A_60 = arith.constant 0 : i32
      %add3A_61 = arith.addi %add3A_60, %mul3A_59 : i32
      %get3A = arith.index_cast %add3A_61 : i32 to index
      %get3A_62 = arith.constant 0 : index
      %get3A_63 = tpu.vector_load %arg10[%get3A, %get3A_62] {strides = array<i32>} : memref<64x128xf32, #tpu.memory_space<vmem>>, vector<16xf32>,
      %get3A_64 = arith.index_cast %add3A_61 : i32 to index
      %get3A_65 = arith.constant 16 : index
      %get3A_66 = tpu.vector_load %arg10[%get3A_64, %get3A_65] {strides = array<i32>} : memref<64x128xf32, #tpu.memory_space<vmem>>, vector<16xf32>,
      %bitcast3A = vector.bitcast %get3A_63 : vector<16xf32> to vector<16xi32>
      %bitcast3A_67 = vector.bitcast %get3A_66 : vector<16xf32> to vector<16xi32>
      %add3A_68 = arith.constant 32767 : i32
      %add3A_69 = vector.broadcast %add3A_68 : i32 to vector<16xi32>
      %add3A_70 = arith.addi %bitcast3A, %add3A_69 : vector<16xi32>
      %shift_right_logical3A = arith.constant 16 : i32
      %shift_right_logical3A_71 = vector.broadcast %shift_right_logical3A : i32 to vector<16xi32>
      %shift_right_logical3A_72 = arith.shrui %bitcast3A, %shift_right_logical3A_71 : vector<16xi32>
      %and3A = arith.constant 1 : i32
      %and3A_73 = vector.broadcast %and3A : i32 to vector<16xi32>
      %and3A_74 = arith.andi %shift_right_logical3A_72, %and3A_73 : vector<16xi32>
      %add3A_75 = arith.addi %add3A_70, %and3A_74 : vector<16xi32>
      %add3A_76 = arith.constant 32767 : i32
      %add3A_77 = vector.broadcast %add3A_76 : i32 to vector<16xi32>
      %add3A_78 = arith.addi %bitcast3A_67, %add3A_77 : vector<16xi32>
      %shift_right_logical3A_79 = arith.constant 16 : i32
      %shift_right_logical3A_80 = vector.broadcast %shift_right_logical3A_79 : i32 to vector<16xi32>
      %shift_right_logical3A_81 = arith.shrui %bitcast3A_67, %shift_right_logical3A_80 : vector<16xi32>
      %and3A_82 = arith.constant 1 : i32
      %and3A_83 = vector.broadcast %and3A_82 : i32 to vector<16xi32>
      %and3A_84 = arith.andi %shift_right_logical3A_81, %and3A_83 : vector<16xi32>
      %add3A_85 = arith.addi %add3A_78, %and3A_84 : vector<16xi32>
      %shift_right_logical3A_86 = arith.constant 16 : i32
      %shift_right_logical3A_87 = vector.broadcast %shift_right_logical3A_86 : i32 to vector<16xi32>
      %shift_right_logical3A_88 = arith.shrui %add3A_75, %shift_right_logical3A_87 : vector<16xi32>
      %and3A_89 = arith.constant -65536 : i32
      %and3A_90 = vector.broadcast %and3A_89 : i32 to vector<16xi32>
      %and3A_91 = arith.andi %add3A_85, %and3A_90 : vector<16xi32>
      %or3A = arith.ori %shift_right_logical3A_88, %and3A_91 : vector<16xi32>
      %bitcast3A_92 = vector.bitcast %or3A : vector<16xi32> to vector<16xi32>
      %swap3A = arith.index_cast %add3A_61 : i32 to index
      %swap3A_93 = arith.constant 0 : index
      %swap3A_94 = tpu.vector_load %arg11[%swap3A, %swap3A_93] {strides = array<i32>} : memref<64x64xi32, #tpu.memory_space<vmem>>, vector<16xi32>,
      tpu.vector_store %arg11[%swap3A, %swap3A_93], %bitcast3A_92 {strides = array<i32>} : memref<64x64xi32, #tpu.memory_space<vmem>>, vector<16xi32>,
      %get3A_95 = arith.index_cast %add3A_61 : i32 to index
      %get3A_96 = arith.constant 32 : index
      %get3A_97 = tpu.vector_load %arg10[%get3A_95, %get3A_96] {strides = array<i32>} : memref<64x128xf32, #tpu.memory_space<vmem>>, vector<16xf32>,
      %get3A_98 = arith.index_cast %add3A_61 : i32 to index
      %get3A_99 = arith.constant 48 : index
      %get3A_100 = tpu.vector_load %arg10[%get3A_98, %get3A_99] {strides = array<i32>} : memref<64x128xf32, #tpu.memory_space<vmem>>, vector<16xf32>,
      %bitcast3A_101 = vector.bitcast %get3A_97 : vector<16xf32> to vector<16xi32>
      %bitcast3A_102 = vector.bitcast %get3A_100 : vector<16xf32> to vector<16xi32>
      %add3A_103 = arith.constant 32767 : i32
      %add3A_104 = vector.broadcast %add3A_103 : i32 to vector<16xi32>
      %add3A_105 = arith.addi %bitcast3A_101, %add3A_104 : vector<16xi32>
      %shift_right_logical3A_106 = arith.constant 16 : i32
      %shift_right_logical3A_107 = vector.broadcast %shift_right_logical3A_106 : i32 to vector<16xi32>
      %shift_right_logical3A_108 = arith.shrui %bitcast3A_101, %shift_right_logical3A_107 : vector<16xi32>
      %and3A_109 = arith.constant 1 : i32
      %and3A_110 = vector.broadcast %and3A_109 : i32 to vector<16xi32>
      %and3A_111 = arith.andi %shift_right_logical3A_108, %and3A_110 : vector<16xi32>
      %add3A_112 = arith.addi %add3A_105, %and3A_111 : vector<16xi32>
      %add3A_113 = arith.constant 32767 : i32
      %add3A_114 = vector.broadcast %add3A_113 : i32 to vector<16xi32>
      %add3A_115 = arith.addi %bitcast3A_102, %add3A_114 : vector<16xi32>
      %shift_right_logical3A_116 = arith.constant 16 : i32
      %shift_right_logical3A_117 = vector.broadcast %shift_right_logical3A_116 : i32 to vector<16xi32>
      %shift_right_logical3A_118 = arith.shrui %bitcast3A_102, %shift_right_logical3A_117 : vector<16xi32>
      %and3A_119 = arith.constant 1 : i32
      %and3A_120 = vector.broadcast %and3A_119 : i32 to vector<16xi32>
      %and3A_121 = arith.andi %shift_right_logical3A_118, %and3A_120 : vector<16xi32>
      %add3A_122 = arith.addi %add3A_115, %and3A_121 : vector<16xi32>
      %shift_right_logical3A_123 = arith.constant 16 : i32
      %shift_right_logical3A_124 = vector.broadcast %shift_right_logical3A_123 : i32 to vector<16xi32>
      %shift_right_logical3A_125 = arith.shrui %add3A_112, %shift_right_logical3A_124 : vector<16xi32>
      %and3A_126 = arith.constant -65536 : i32
      %and3A_127 = vector.broadcast %and3A_126 : i32 to vector<16xi32>
      %and3A_128 = arith.andi %add3A_122, %and3A_127 : vector<16xi32>
      %or3A_129 = arith.ori %shift_right_logical3A_125, %and3A_128 : vector<16xi32>
      %bitcast3A_130 = vector.bitcast %or3A_129 : vector<16xi32> to vector<16xi32>
      %swap3A_131 = arith.index_cast %add3A_61 : i32 to index
      %swap3A_132 = arith.constant 16 : index
      %swap3A_133 = tpu.vector_load %arg11[%swap3A_131, %swap3A_132] {strides = array<i32>} : memref<64x64xi32, #tpu.memory_space<vmem>>, vector<16xi32>,
      tpu.vector_store %arg11[%swap3A_131, %swap3A_132], %bitcast3A_130 {strides = array<i32>} : memref<64x64xi32, #tpu.memory_space<vmem>>, vector<16xi32>,
      %get3A_134 = arith.index_cast %add3A_61 : i32 to index
      %get3A_135 = arith.constant 64 : index
      %get3A_136 = tpu.vector_load %arg10[%get3A_134, %get3A_135] {strides = array<i32>} : memref<64x128xf32, #tpu.memory_space<vmem>>, vector<16xf32>,
      %get3A_137 = arith.index_cast %add3A_61 : i32 to index
      %get3A_138 = arith.constant 80 : index
      %get3A_139 = tpu.vector_load %arg10[%get3A_137, %get3A_138] {strides = array<i32>} : memref<64x128xf32, #tpu.memory_space<vmem>>, vector<16xf32>,
      %bitcast3A_140 = vector.bitcast %get3A_136 : vector<16xf32> to vector<16xi32>
      %bitcast3A_141 = vector.bitcast %get3A_139 : vector<16xf32> to vector<16xi32>
      %add3A_142 = arith.constant 32767 : i32
      %add3A_143 = vector.broadcast %add3A_142 : i32 to vector<16xi32>
      %add3A_144 = arith.addi %bitcast3A_140, %add3A_143 : vector<16xi32>
      %shift_right_logical3A_145 = arith.constant 16 : i32
      %shift_right_logical3A_146 = vector.broadcast %shift_right_logical3A_145 : i32 to vector<16xi32>
      %shift_right_logical3A_147 = arith.shrui %bitcast3A_140, %shift_right_logical3A_146 : vector<16xi32>
      %and3A_148 = arith.constant 1 : i32
      %and3A_149 = vector.broadcast %and3A_148 : i32 to vector<16xi32>
      %and3A_150 = arith.andi %shift_right_logical3A_147, %and3A_149 : vector<16xi32>
      %add3A_151 = arith.addi %add3A_144, %and3A_150 : vector<16xi32>
      %add3A_152 = arith.constant 32767 : i32
      %add3A_153 = vector.broadcast %add3A_152 : i32 to vector<16xi32>
      %add3A_154 = arith.addi %bitcast3A_141, %add3A_153 : vector<16xi32>
      %shift_right_logical3A_155 = arith.constant 16 : i32
      %shift_right_logical3A_156 = vector.broadcast %shift_right_logical3A_155 : i32 to vector<16xi32>
      %shift_right_logical3A_157 = arith.shrui %bitcast3A_141, %shift_right_logical3A_156 : vector<16xi32>
      %and3A_158 = arith.constant 1 : i32
      %and3A_159 = vector.broadcast %and3A_158 : i32 to vector<16xi32>
      %and3A_160 = arith.andi %shift_right_logical3A_157, %and3A_159 : vector<16xi32>
      %add3A_161 = arith.addi %add3A_154, %and3A_160 : vector<16xi32>
      %shift_right_logical3A_162 = arith.constant 16 : i32
      %shift_right_logical3A_163 = vector.broadcast %shift_right_logical3A_162 : i32 to vector<16xi32>
      %shift_right_logical3A_164 = arith.shrui %add3A_151, %shift_right_logical3A_163 : vector<16xi32>
      %and3A_165 = arith.constant -65536 : i32
      %and3A_166 = vector.broadcast %and3A_165 : i32 to vector<16xi32>
      %and3A_167 = arith.andi %add3A_161, %and3A_166 : vector<16xi32>
      %or3A_168 = arith.ori %shift_right_logical3A_164, %and3A_167 : vector<16xi32>
      %bitcast3A_169 = vector.bitcast %or3A_168 : vector<16xi32> to vector<16xi32>
      %swap3A_170 = arith.index_cast %add3A_61 : i32 to index
      %swap3A_171 = arith.constant 32 : index
      %swap3A_172 = tpu.vector_load %arg11[%swap3A_170, %swap3A_171] {strides = array<i32>} : memref<64x64xi32, #tpu.memory_space<vmem>>, vector<16xi32>,
      tpu.vector_store %arg11[%swap3A_170, %swap3A_171], %bitcast3A_169 {strides = array<i32>} : memref<64x64xi32, #tpu.memory_space<vmem>>, vector<16xi32>,
      %get3A_173 = arith.index_cast %add3A_61 : i32 to index
      %get3A_174 = arith.constant 96 : index
      %get3A_175 = tpu.vector_load %arg10[%get3A_173, %get3A_174] {strides = array<i32>} : memref<64x128xf32, #tpu.memory_space<vmem>>, vector<16xf32>,
      %get3A_176 = arith.index_cast %add3A_61 : i32 to index
      %get3A_177 = arith.constant 112 : index
      %get3A_178 = tpu.vector_load %arg10[%get3A_176, %get3A_177] {strides = array<i32>} : memref<64x128xf32, #tpu.memory_space<vmem>>, vector<16xf32>,
      %bitcast3A_179 = vector.bitcast %get3A_175 : vector<16xf32> to vector<16xi32>
      %bitcast3A_180 = vector.bitcast %get3A_178 : vector<16xf32> to vector<16xi32>
      %add3A_181 = arith.constant 32767 : i32
      %add3A_182 = vector.broadcast %add3A_181 : i32 to vector<16xi32>
      %add3A_183 = arith.addi %bitcast3A_179, %add3A_182 : vector<16xi32>
      %shift_right_logical3A_184 = arith.constant 16 : i32
      %shift_right_logical3A_185 = vector.broadcast %shift_right_logical3A_184 : i32 to vector<16xi32>
      %shift_right_logical3A_186 = arith.shrui %bitcast3A_179, %shift_right_logical3A_185 : vector<16xi32>
      %and3A_187 = arith.constant 1 : i32
      %and3A_188 = vector.broadcast %and3A_187 : i32 to vector<16xi32>
      %and3A_189 = arith.andi %shift_right_logical3A_186, %and3A_188 : vector<16xi32>
      %add3A_190 = arith.addi %add3A_183, %and3A_189 : vector<16xi32>
      %add3A_191 = arith.constant 32767 : i32
      %add3A_192 = vector.broadcast %add3A_191 : i32 to vector<16xi32>
      %add3A_193 = arith.addi %bitcast3A_180, %add3A_192 : vector<16xi32>
      %shift_right_logical3A_194 = arith.constant 16 : i32
      %shift_right_logical3A_195 = vector.broadcast %shift_right_logical3A_194 : i32 to vector<16xi32>
      %shift_right_logical3A_196 = arith.shrui %bitcast3A_180, %shift_right_logical3A_195 : vector<16xi32>
      %and3A_197 = arith.constant 1 : i32
      %and3A_198 = vector.broadcast %and3A_197 : i32 to vector<16xi32>
      %and3A_199 = arith.andi %shift_right_logical3A_196, %and3A_198 : vector<16xi32>
      %add3A_200 = arith.addi %add3A_193, %and3A_199 : vector<16xi32>
      %shift_right_logical3A_201 = arith.constant 16 : i32
      %shift_right_logical3A_202 = vector.broadcast %shift_right_logical3A_201 : i32 to vector<16xi32>
      %shift_right_logical3A_203 = arith.shrui %add3A_190, %shift_right_logical3A_202 : vector<16xi32>
      %and3A_204 = arith.constant -65536 : i32
      %and3A_205 = vector.broadcast %and3A_204 : i32 to vector<16xi32>
      %and3A_206 = arith.andi %add3A_200, %and3A_205 : vector<16xi32>
      %or3A_207 = arith.ori %shift_right_logical3A_203, %and3A_206 : vector<16xi32>
      %bitcast3A_208 = vector.bitcast %or3A_207 : vector<16xi32> to vector<16xi32>
      %swap3A_209 = arith.index_cast %add3A_61 : i32 to index
      %swap3A_210 = arith.constant 48 : index
      %swap3A_211 = tpu.vector_load %arg11[%swap3A_209, %swap3A_210] {strides = array<i32>} : memref<64x64xi32, #tpu.memory_space<vmem>>, vector<16xi32>,
      tpu.vector_store %arg11[%swap3A_209, %swap3A_210], %bitcast3A_208 {strides = array<i32>} : memref<64x64xi32, #tpu.memory_space<vmem>>, vector<16xi32>,
    }
    %scan3A_36 = arith.constant 64 : i32
    %add3A_37 = arith.constant 128 : i32
    %add3A_38 = arith.addi %mul3A_0, %add3A_37 : i32
    "tpu.region"() ({
      %run_scoped3A = tpu.sem_alloc : memref<!tpu.dma_semaphore, #tpu.memory_space<semaphore_mem>>
      %dma_start3A = arith.constant 0 : i32
      %dma_start3A_57 = tpu.memref_slice %arg6[%arg0, %add3A_38, %dma_start3A] : memref<2x5120x64xi32, #tpu.memory_space<hbm>> -> memref<1x64x64xi32, #tpu.memory_space<hbm>>
      %dma_start3A_58 = tpu.memref_squeeze %dma_start3A_57 : memref<1x64x64xi32, #tpu.memory_space<hbm>> -> memref<64x64xi32, #tpu.memory_space<hbm>>
      %dma_start3A_59 = arith.constant 0 : i32
      %dma_start3A_60 = tpu.memref_slice %arg6[%arg0, %add3A_38, %dma_start3A_59] : memref<2x5120x64xi32, #tpu.memory_space<hbm>> -> memref<1x64x64xi32, #tpu.memory_space<hbm>>
      %dma_start3A_61 = tpu.memref_squeeze %dma_start3A_60 : memref<1x64x64xi32, #tpu.memory_space<hbm>> -> memref<64x64xi32, #tpu.memory_space<hbm>>
      tpu.enqueue_dma source(%arg11 : memref<64x64xi32, #tpu.memory_space<vmem>>) target(%dma_start3A_61 : memref<64x64xi32, #tpu.memory_space<hbm>>) target_semaphore(%run_scoped3A : memref<!tpu.dma_semaphore, #tpu.memory_space<semaphore_mem>>)
      %dma_wait3A = arith.constant 0 : i32
      %dma_wait3A_62 = tpu.memref_slice %arg6[%arg0, %add3A_38, %dma_wait3A] : memref<2x5120x64xi32, #tpu.memory_space<hbm>> -> memref<1x64x64xi32, #tpu.memory_space<hbm>>
      %dma_wait3A_63 = tpu.memref_squeeze %dma_wait3A_62 : memref<1x64x64xi32, #tpu.memory_space<hbm>> -> memref<64x64xi32, #tpu.memory_space<hbm>>
      %dma_wait3A_64 = arith.constant 0 : i32
      %dma_wait3A_65 = tpu.memref_slice %arg6[%arg0, %add3A_38, %dma_wait3A_64] : memref<2x5120x64xi32, #tpu.memory_space<hbm>> -> memref<1x64x64xi32, #tpu.memory_space<hbm>>
      %dma_wait3A_66 = tpu.memref_squeeze %dma_wait3A_65 : memref<1x64x64xi32, #tpu.memory_space<hbm>> -> memref<64x64xi32, #tpu.memory_space<hbm>>
      tpu.wait_dma2 semaphore(%run_scoped3A : memref<!tpu.dma_semaphore, #tpu.memory_space<semaphore_mem>>) src(%arg11 : memref<64x64xi32, #tpu.memory_space<vmem>>) dst(%dma_wait3A_66 : memref<64x64xi32, #tpu.memory_space<hbm>>)
      tpu.yield
    }) : () -> ()
    %add3A_39 = arith.constant 192 : i32
    %add3A_40 = arith.addi %mul3A_0, %add3A_39 : i32
    "tpu.region"() ({
      %run_scoped3A = tpu.sem_alloc : memref<!tpu.dma_semaphore, #tpu.memory_space<semaphore_mem>>
      %dma_start3A = arith.constant 0 : i32
      %dma_start3A_57 = tpu.memref_slice %arg12[%add3A_40, %dma_start3A] : memref<5120x128xf32, #tpu.memory_space<vmem_shared>> -> memref<64x128xf32, #tpu.memory_space<vmem_shared>>
      %dma_start3A_58 = arith.constant 0 : i32
      %dma_start3A_59 = tpu.memref_slice %arg12[%add3A_40, %dma_start3A_58] : memref<5120x128xf32, #tpu.memory_space<vmem_shared>> -> memref<64x128xf32, #tpu.memory_space<vmem_shared>>
      tpu.enqueue_dma source(%dma_start3A_59 : memref<64x128xf32, #tpu.memory_space<vmem_shared>>) target(%arg10 : memref<64x128xf32, #tpu.memory_space<vmem>>) target_semaphore(%run_scoped3A : memref<!tpu.dma_semaphore, #tpu.memory_space<semaphore_mem>>)
      %dma_wait3A = arith.constant 0 : i32
      %dma_wait3A_60 = tpu.memref_slice %arg12[%add3A_40, %dma_wait3A] : memref<5120x128xf32, #tpu.memory_space<vmem_shared>> -> memref<64x128xf32, #tpu.memory_space<vmem_shared>>
      %dma_wait3A_61 = arith.constant 0 : i32
      %dma_wait3A_62 = tpu.memref_slice %arg12[%add3A_40, %dma_wait3A_61] : memref<5120x128xf32, #tpu.memory_space<vmem_shared>> -> memref<64x128xf32, #tpu.memory_space<vmem_shared>>
      tpu.wait_dma2 semaphore(%run_scoped3A : memref<!tpu.dma_semaphore, #tpu.memory_space<semaphore_mem>>) src(%dma_wait3A_62 : memref<64x128xf32, #tpu.memory_space<vmem_shared>>) dst(%arg10 : memref<64x128xf32, #tpu.memory_space<vmem>>)
      tpu.yield
    }) : () -> ()
    %scan3A_41 = arith.constant 0 : i32
    %scan3A_42 = arith.constant 64 : i32
    %scan3A_43 = arith.addi %scan3A_41, %scan3A_42 : i32
    %scan3A_44 = arith.constant 1 : i32
    scf.for %scan3A_57 = %scan3A_41 to %scan3A_43 step %scan3A_44  : i32 {
      %mul3A_58 = arith.constant 1 : i32
      %mul3A_59 = arith.muli %scan3A_57, %mul3A_58 : i32
      %add3A_60 = arith.constant 0 : i32
      %add3A_61 = arith.addi %add3A_60, %mul3A_59 : i32
      %get3A = arith.index_cast %add3A_61 : i32 to index
      %get3A_62 = arith.constant 0 : index
      %get3A_63 = tpu.vector_load %arg10[%get3A, %get3A_62] {strides = array<i32>} : memref<64x128xf32, #tpu.memory_space<vmem>>, vector<16xf32>,
      %get3A_64 = arith.index_cast %add3A_61 : i32 to index
      %get3A_65 = arith.constant 16 : index
      %get3A_66 = tpu.vector_load %arg10[%get3A_64, %get3A_65] {strides = array<i32>} : memref<64x128xf32, #tpu.memory_space<vmem>>, vector<16xf32>,
      %bitcast3A = vector.bitcast %get3A_63 : vector<16xf32> to vector<16xi32>
      %bitcast3A_67 = vector.bitcast %get3A_66 : vector<16xf32> to vector<16xi32>
      %add3A_68 = arith.constant 32767 : i32
      %add3A_69 = vector.broadcast %add3A_68 : i32 to vector<16xi32>
      %add3A_70 = arith.addi %bitcast3A, %add3A_69 : vector<16xi32>
      %shift_right_logical3A = arith.constant 16 : i32
      %shift_right_logical3A_71 = vector.broadcast %shift_right_logical3A : i32 to vector<16xi32>
      %shift_right_logical3A_72 = arith.shrui %bitcast3A, %shift_right_logical3A_71 : vector<16xi32>
      %and3A = arith.constant 1 : i32
      %and3A_73 = vector.broadcast %and3A : i32 to vector<16xi32>
      %and3A_74 = arith.andi %shift_right_logical3A_72, %and3A_73 : vector<16xi32>
      %add3A_75 = arith.addi %add3A_70, %and3A_74 : vector<16xi32>
      %add3A_76 = arith.constant 32767 : i32
      %add3A_77 = vector.broadcast %add3A_76 : i32 to vector<16xi32>
      %add3A_78 = arith.addi %bitcast3A_67, %add3A_77 : vector<16xi32>
      %shift_right_logical3A_79 = arith.constant 16 : i32
      %shift_right_logical3A_80 = vector.broadcast %shift_right_logical3A_79 : i32 to vector<16xi32>
      %shift_right_logical3A_81 = arith.shrui %bitcast3A_67, %shift_right_logical3A_80 : vector<16xi32>
      %and3A_82 = arith.constant 1 : i32
      %and3A_83 = vector.broadcast %and3A_82 : i32 to vector<16xi32>
      %and3A_84 = arith.andi %shift_right_logical3A_81, %and3A_83 : vector<16xi32>
      %add3A_85 = arith.addi %add3A_78, %and3A_84 : vector<16xi32>
      %shift_right_logical3A_86 = arith.constant 16 : i32
      %shift_right_logical3A_87 = vector.broadcast %shift_right_logical3A_86 : i32 to vector<16xi32>
      %shift_right_logical3A_88 = arith.shrui %add3A_75, %shift_right_logical3A_87 : vector<16xi32>
      %and3A_89 = arith.constant -65536 : i32
      %and3A_90 = vector.broadcast %and3A_89 : i32 to vector<16xi32>
      %and3A_91 = arith.andi %add3A_85, %and3A_90 : vector<16xi32>
      %or3A = arith.ori %shift_right_logical3A_88, %and3A_91 : vector<16xi32>
      %bitcast3A_92 = vector.bitcast %or3A : vector<16xi32> to vector<16xi32>
      %swap3A = arith.index_cast %add3A_61 : i32 to index
      %swap3A_93 = arith.constant 0 : index
      %swap3A_94 = tpu.vector_load %arg11[%swap3A, %swap3A_93] {strides = array<i32>} : memref<64x64xi32, #tpu.memory_space<vmem>>, vector<16xi32>,
      tpu.vector_store %arg11[%swap3A, %swap3A_93], %bitcast3A_92 {strides = array<i32>} : memref<64x64xi32, #tpu.memory_space<vmem>>, vector<16xi32>,
      %get3A_95 = arith.index_cast %add3A_61 : i32 to index
      %get3A_96 = arith.constant 32 : index
      %get3A_97 = tpu.vector_load %arg10[%get3A_95, %get3A_96] {strides = array<i32>} : memref<64x128xf32, #tpu.memory_space<vmem>>, vector<16xf32>,
      %get3A_98 = arith.index_cast %add3A_61 : i32 to index
      %get3A_99 = arith.constant 48 : index
      %get3A_100 = tpu.vector_load %arg10[%get3A_98, %get3A_99] {strides = array<i32>} : memref<64x128xf32, #tpu.memory_space<vmem>>, vector<16xf32>,
      %bitcast3A_101 = vector.bitcast %get3A_97 : vector<16xf32> to vector<16xi32>
      %bitcast3A_102 = vector.bitcast %get3A_100 : vector<16xf32> to vector<16xi32>
      %add3A_103 = arith.constant 32767 : i32
      %add3A_104 = vector.broadcast %add3A_103 : i32 to vector<16xi32>
      %add3A_105 = arith.addi %bitcast3A_101, %add3A_104 : vector<16xi32>
      %shift_right_logical3A_106 = arith.constant 16 : i32
      %shift_right_logical3A_107 = vector.broadcast %shift_right_logical3A_106 : i32 to vector<16xi32>
      %shift_right_logical3A_108 = arith.shrui %bitcast3A_101, %shift_right_logical3A_107 : vector<16xi32>
      %and3A_109 = arith.constant 1 : i32
      %and3A_110 = vector.broadcast %and3A_109 : i32 to vector<16xi32>
      %and3A_111 = arith.andi %shift_right_logical3A_108, %and3A_110 : vector<16xi32>
      %add3A_112 = arith.addi %add3A_105, %and3A_111 : vector<16xi32>
      %add3A_113 = arith.constant 32767 : i32
      %add3A_114 = vector.broadcast %add3A_113 : i32 to vector<16xi32>
      %add3A_115 = arith.addi %bitcast3A_102, %add3A_114 : vector<16xi32>
      %shift_right_logical3A_116 = arith.constant 16 : i32
      %shift_right_logical3A_117 = vector.broadcast %shift_right_logical3A_116 : i32 to vector<16xi32>
      %shift_right_logical3A_118 = arith.shrui %bitcast3A_102, %shift_right_logical3A_117 : vector<16xi32>
      %and3A_119 = arith.constant 1 : i32
      %and3A_120 = vector.broadcast %and3A_119 : i32 to vector<16xi32>
      %and3A_121 = arith.andi %shift_right_logical3A_118, %and3A_120 : vector<16xi32>
      %add3A_122 = arith.addi %add3A_115, %and3A_121 : vector<16xi32>
      %shift_right_logical3A_123 = arith.constant 16 : i32
      %shift_right_logical3A_124 = vector.broadcast %shift_right_logical3A_123 : i32 to vector<16xi32>
      %shift_right_logical3A_125 = arith.shrui %add3A_112, %shift_right_logical3A_124 : vector<16xi32>
      %and3A_126 = arith.constant -65536 : i32
      %and3A_127 = vector.broadcast %and3A_126 : i32 to vector<16xi32>
      %and3A_128 = arith.andi %add3A_122, %and3A_127 : vector<16xi32>
      %or3A_129 = arith.ori %shift_right_logical3A_125, %and3A_128 : vector<16xi32>
      %bitcast3A_130 = vector.bitcast %or3A_129 : vector<16xi32> to vector<16xi32>
      %swap3A_131 = arith.index_cast %add3A_61 : i32 to index
      %swap3A_132 = arith.constant 16 : index
      %swap3A_133 = tpu.vector_load %arg11[%swap3A_131, %swap3A_132] {strides = array<i32>} : memref<64x64xi32, #tpu.memory_space<vmem>>, vector<16xi32>,
      tpu.vector_store %arg11[%swap3A_131, %swap3A_132], %bitcast3A_130 {strides = array<i32>} : memref<64x64xi32, #tpu.memory_space<vmem>>, vector<16xi32>,
      %get3A_134 = arith.index_cast %add3A_61 : i32 to index
      %get3A_135 = arith.constant 64 : index
      %get3A_136 = tpu.vector_load %arg10[%get3A_134, %get3A_135] {strides = array<i32>} : memref<64x128xf32, #tpu.memory_space<vmem>>, vector<16xf32>,
      %get3A_137 = arith.index_cast %add3A_61 : i32 to index
      %get3A_138 = arith.constant 80 : index
      %get3A_139 = tpu.vector_load %arg10[%get3A_137, %get3A_138] {strides = array<i32>} : memref<64x128xf32, #tpu.memory_space<vmem>>, vector<16xf32>,
      %bitcast3A_140 = vector.bitcast %get3A_136 : vector<16xf32> to vector<16xi32>
      %bitcast3A_141 = vector.bitcast %get3A_139 : vector<16xf32> to vector<16xi32>
      %add3A_142 = arith.constant 32767 : i32
      %add3A_143 = vector.broadcast %add3A_142 : i32 to vector<16xi32>
      %add3A_144 = arith.addi %bitcast3A_140, %add3A_143 : vector<16xi32>
      %shift_right_logical3A_145 = arith.constant 16 : i32
      %shift_right_logical3A_146 = vector.broadcast %shift_right_logical3A_145 : i32 to vector<16xi32>
      %shift_right_logical3A_147 = arith.shrui %bitcast3A_140, %shift_right_logical3A_146 : vector<16xi32>
      %and3A_148 = arith.constant 1 : i32
      %and3A_149 = vector.broadcast %and3A_148 : i32 to vector<16xi32>
      %and3A_150 = arith.andi %shift_right_logical3A_147, %and3A_149 : vector<16xi32>
      %add3A_151 = arith.addi %add3A_144, %and3A_150 : vector<16xi32>
      %add3A_152 = arith.constant 32767 : i32
      %add3A_153 = vector.broadcast %add3A_152 : i32 to vector<16xi32>
      %add3A_154 = arith.addi %bitcast3A_141, %add3A_153 : vector<16xi32>
      %shift_right_logical3A_155 = arith.constant 16 : i32
      %shift_right_logical3A_156 = vector.broadcast %shift_right_logical3A_155 : i32 to vector<16xi32>
      %shift_right_logical3A_157 = arith.shrui %bitcast3A_141, %shift_right_logical3A_156 : vector<16xi32>
      %and3A_158 = arith.constant 1 : i32
      %and3A_159 = vector.broadcast %and3A_158 : i32 to vector<16xi32>
      %and3A_160 = arith.andi %shift_right_logical3A_157, %and3A_159 : vector<16xi32>
      %add3A_161 = arith.addi %add3A_154, %and3A_160 : vector<16xi32>
      %shift_right_logical3A_162 = arith.constant 16 : i32
      %shift_right_logical3A_163 = vector.broadcast %shift_right_logical3A_162 : i32 to vector<16xi32>
      %shift_right_logical3A_164 = arith.shrui %add3A_151, %shift_right_logical3A_163 : vector<16xi32>
      %and3A_165 = arith.constant -65536 : i32
      %and3A_166 = vector.broadcast %and3A_165 : i32 to vector<16xi32>
      %and3A_167 = arith.andi %add3A_161, %and3A_166 : vector<16xi32>
      %or3A_168 = arith.ori %shift_right_logical3A_164, %and3A_167 : vector<16xi32>
      %bitcast3A_169 = vector.bitcast %or3A_168 : vector<16xi32> to vector<16xi32>
      %swap3A_170 = arith.index_cast %add3A_61 : i32 to index
      %swap3A_171 = arith.constant 32 : index
      %swap3A_172 = tpu.vector_load %arg11[%swap3A_170, %swap3A_171] {strides = array<i32>} : memref<64x64xi32, #tpu.memory_space<vmem>>, vector<16xi32>,
      tpu.vector_store %arg11[%swap3A_170, %swap3A_171], %bitcast3A_169 {strides = array<i32>} : memref<64x64xi32, #tpu.memory_space<vmem>>, vector<16xi32>,
      %get3A_173 = arith.index_cast %add3A_61 : i32 to index
      %get3A_174 = arith.constant 96 : index
      %get3A_175 = tpu.vector_load %arg10[%get3A_173, %get3A_174] {strides = array<i32>} : memref<64x128xf32, #tpu.memory_space<vmem>>, vector<16xf32>,
      %get3A_176 = arith.index_cast %add3A_61 : i32 to index
      %get3A_177 = arith.constant 112 : index
      %get3A_178 = tpu.vector_load %arg10[%get3A_176, %get3A_177] {strides = array<i32>} : memref<64x128xf32, #tpu.memory_space<vmem>>, vector<16xf32>,
      %bitcast3A_179 = vector.bitcast %get3A_175 : vector<16xf32> to vector<16xi32>
      %bitcast3A_180 = vector.bitcast %get3A_178 : vector<16xf32> to vector<16xi32>
      %add3A_181 = arith.constant 32767 : i32
      %add3A_182 = vector.broadcast %add3A_181 : i32 to vector<16xi32>
      %add3A_183 = arith.addi %bitcast3A_179, %add3A_182 : vector<16xi32>
      %shift_right_logical3A_184 = arith.constant 16 : i32
      %shift_right_logical3A_185 = vector.broadcast %shift_right_logical3A_184 : i32 to vector<16xi32>
      %shift_right_logical3A_186 = arith.shrui %bitcast3A_179, %shift_right_logical3A_185 : vector<16xi32>
      %and3A_187 = arith.constant 1 : i32
      %and3A_188 = vector.broadcast %and3A_187 : i32 to vector<16xi32>
      %and3A_189 = arith.andi %shift_right_logical3A_186, %and3A_188 : vector<16xi32>
      %add3A_190 = arith.addi %add3A_183, %and3A_189 : vector<16xi32>
      %add3A_191 = arith.constant 32767 : i32
      %add3A_192 = vector.broadcast %add3A_191 : i32 to vector<16xi32>
      %add3A_193 = arith.addi %bitcast3A_180, %add3A_192 : vector<16xi32>
      %shift_right_logical3A_194 = arith.constant 16 : i32
      %shift_right_logical3A_195 = vector.broadcast %shift_right_logical3A_194 : i32 to vector<16xi32>
      %shift_right_logical3A_196 = arith.shrui %bitcast3A_180, %shift_right_logical3A_195 : vector<16xi32>
      %and3A_197 = arith.constant 1 : i32
      %and3A_198 = vector.broadcast %and3A_197 : i32 to vector<16xi32>
      %and3A_199 = arith.andi %shift_right_logical3A_196, %and3A_198 : vector<16xi32>
      %add3A_200 = arith.addi %add3A_193, %and3A_199 : vector<16xi32>
      %shift_right_logical3A_201 = arith.constant 16 : i32
      %shift_right_logical3A_202 = vector.broadcast %shift_right_logical3A_201 : i32 to vector<16xi32>
      %shift_right_logical3A_203 = arith.shrui %add3A_190, %shift_right_logical3A_202 : vector<16xi32>
      %and3A_204 = arith.constant -65536 : i32
      %and3A_205 = vector.broadcast %and3A_204 : i32 to vector<16xi32>
      %and3A_206 = arith.andi %add3A_200, %and3A_205 : vector<16xi32>
      %or3A_207 = arith.ori %shift_right_logical3A_203, %and3A_206 : vector<16xi32>
      %bitcast3A_208 = vector.bitcast %or3A_207 : vector<16xi32> to vector<16xi32>
      %swap3A_209 = arith.index_cast %add3A_61 : i32 to index
      %swap3A_210 = arith.constant 48 : index
      %swap3A_211 = tpu.vector_load %arg11[%swap3A_209, %swap3A_210] {strides = array<i32>} : memref<64x64xi32, #tpu.memory_space<vmem>>, vector<16xi32>,
      tpu.vector_store %arg11[%swap3A_209, %swap3A_210], %bitcast3A_208 {strides = array<i32>} : memref<64x64xi32, #tpu.memory_space<vmem>>, vector<16xi32>,
    }
    %scan3A_45 = arith.constant 64 : i32
    %add3A_46 = arith.constant 192 : i32
    %add3A_47 = arith.addi %mul3A_0, %add3A_46 : i32
    "tpu.region"() ({
      %run_scoped3A = tpu.sem_alloc : memref<!tpu.dma_semaphore, #tpu.memory_space<semaphore_mem>>
      %dma_start3A = arith.constant 0 : i32
      %dma_start3A_57 = tpu.memref_slice %arg6[%arg0, %add3A_47, %dma_start3A] : memref<2x5120x64xi32, #tpu.memory_space<hbm>> -> memref<1x64x64xi32, #tpu.memory_space<hbm>>
      %dma_start3A_58 = tpu.memref_squeeze %dma_start3A_57 : memref<1x64x64xi32, #tpu.memory_space<hbm>> -> memref<64x64xi32, #tpu.memory_space<hbm>>
      %dma_start3A_59 = arith.constant 0 : i32
      %dma_start3A_60 = tpu.memref_slice %arg6[%arg0, %add3A_47, %dma_start3A_59] : memref<2x5120x64xi32, #tpu.memory_space<hbm>> -> memref<1x64x64xi32, #tpu.memory_space<hbm>>
      %dma_start3A_61 = tpu.memref_squeeze %dma_start3A_60 : memref<1x64x64xi32, #tpu.memory_space<hbm>> -> memref<64x64xi32, #tpu.memory_space<hbm>>
      tpu.enqueue_dma source(%arg11 : memref<64x64xi32, #tpu.memory_space<vmem>>) target(%dma_start3A_61 : memref<64x64xi32, #tpu.memory_space<hbm>>) target_semaphore(%run_scoped3A : memref<!tpu.dma_semaphore, #tpu.memory_space<semaphore_mem>>)
      %dma_wait3A = arith.constant 0 : i32
      %dma_wait3A_62 = tpu.memref_slice %arg6[%arg0, %add3A_47, %dma_wait3A] : memref<2x5120x64xi32, #tpu.memory_space<hbm>> -> memref<1x64x64xi32, #tpu.memory_space<hbm>>
      %dma_wait3A_63 = tpu.memref_squeeze %dma_wait3A_62 : memref<1x64x64xi32, #tpu.memory_space<hbm>> -> memref<64x64xi32, #tpu.memory_space<hbm>>
      %dma_wait3A_64 = arith.constant 0 : i32
      %dma_wait3A_65 = tpu.memref_slice %arg6[%arg0, %add3A_47, %dma_wait3A_64] : memref<2x5120x64xi32, #tpu.memory_space<hbm>> -> memref<1x64x64xi32, #tpu.memory_space<hbm>>
      %dma_wait3A_66 = tpu.memref_squeeze %dma_wait3A_65 : memref<1x64x64xi32, #tpu.memory_space<hbm>> -> memref<64x64xi32, #tpu.memory_space<hbm>>
      tpu.wait_dma2 semaphore(%run_scoped3A : memref<!tpu.dma_semaphore, #tpu.memory_space<semaphore_mem>>) src(%arg11 : memref<64x64xi32, #tpu.memory_space<vmem>>) dst(%dma_wait3A_66 : memref<64x64xi32, #tpu.memory_space<hbm>>)
      tpu.yield
    }) : () -> ()
    %add3A_48 = arith.constant 256 : i32
    %add3A_49 = arith.addi %mul3A_0, %add3A_48 : i32
    "tpu.region"() ({
      %run_scoped3A = tpu.sem_alloc : memref<!tpu.dma_semaphore, #tpu.memory_space<semaphore_mem>>
      %dma_start3A = arith.constant 0 : i32
      %dma_start3A_57 = tpu.memref_slice %arg12[%add3A_49, %dma_start3A] : memref<5120x128xf32, #tpu.memory_space<vmem_shared>> -> memref<64x128xf32, #tpu.memory_space<vmem_shared>>
      %dma_start3A_58 = arith.constant 0 : i32
      %dma_start3A_59 = tpu.memref_slice %arg12[%add3A_49, %dma_start3A_58] : memref<5120x128xf32, #tpu.memory_space<vmem_shared>> -> memref<64x128xf32, #tpu.memory_space<vmem_shared>>
      tpu.enqueue_dma source(%dma_start3A_59 : memref<64x128xf32, #tpu.memory_space<vmem_shared>>) target(%arg10 : memref<64x128xf32, #tpu.memory_space<vmem>>) target_semaphore(%run_scoped3A : memref<!tpu.dma_semaphore, #tpu.memory_space<semaphore_mem>>)
      %dma_wait3A = arith.constant 0 : i32
      %dma_wait3A_60 = tpu.memref_slice %arg12[%add3A_49, %dma_wait3A] : memref<5120x128xf32, #tpu.memory_space<vmem_shared>> -> memref<64x128xf32, #tpu.memory_space<vmem_shared>>
      %dma_wait3A_61 = arith.constant 0 : i32
      %dma_wait3A_62 = tpu.memref_slice %arg12[%add3A_49, %dma_wait3A_61] : memref<5120x128xf32, #tpu.memory_space<vmem_shared>> -> memref<64x128xf32, #tpu.memory_space<vmem_shared>>
      tpu.wait_dma2 semaphore(%run_scoped3A : memref<!tpu.dma_semaphore, #tpu.memory_space<semaphore_mem>>) src(%dma_wait3A_62 : memref<64x128xf32, #tpu.memory_space<vmem_shared>>) dst(%arg10 : memref<64x128xf32, #tpu.memory_space<vmem>>)
      tpu.yield
    }) : () -> ()
    %scan3A_50 = arith.constant 0 : i32
    %scan3A_51 = arith.constant 64 : i32
    %scan3A_52 = arith.addi %scan3A_50, %scan3A_51 : i32
    %scan3A_53 = arith.constant 1 : i32
    scf.for %scan3A_57 = %scan3A_50 to %scan3A_52 step %scan3A_53  : i32 {
      %mul3A_58 = arith.constant 1 : i32
      %mul3A_59 = arith.muli %scan3A_57, %mul3A_58 : i32
      %add3A_60 = arith.constant 0 : i32
      %add3A_61 = arith.addi %add3A_60, %mul3A_59 : i32
      %get3A = arith.index_cast %add3A_61 : i32 to index
      %get3A_62 = arith.constant 0 : index
      %get3A_63 = tpu.vector_load %arg10[%get3A, %get3A_62] {strides = array<i32>} : memref<64x128xf32, #tpu.memory_space<vmem>>, vector<16xf32>,
      %get3A_64 = arith.index_cast %add3A_61 : i32 to index
      %get3A_65 = arith.constant 16 : index
      %get3A_66 = tpu.vector_load %arg10[%get3A_64, %get3A_65] {strides = array<i32>} : memref<64x128xf32, #tpu.memory_space<vmem>>, vector<16xf32>,
      %bitcast3A = vector.bitcast %get3A_63 : vector<16xf32> to vector<16xi32>
      %bitcast3A_67 = vector.bitcast %get3A_66 : vector<16xf32> to vector<16xi32>
      %add3A_68 = arith.constant 32767 : i32
      %add3A_69 = vector.broadcast %add3A_68 : i32 to vector<16xi32>
      %add3A_70 = arith.addi %bitcast3A, %add3A_69 : vector<16xi32>
      %shift_right_logical3A = arith.constant 16 : i32
      %shift_right_logical3A_71 = vector.broadcast %shift_right_logical3A : i32 to vector<16xi32>
      %shift_right_logical3A_72 = arith.shrui %bitcast3A, %shift_right_logical3A_71 : vector<16xi32>
      %and3A = arith.constant 1 : i32
      %and3A_73 = vector.broadcast %and3A : i32 to vector<16xi32>
      %and3A_74 = arith.andi %shift_right_logical3A_72, %and3A_73 : vector<16xi32>
      %add3A_75 = arith.addi %add3A_70, %and3A_74 : vector<16xi32>
      %add3A_76 = arith.constant 32767 : i32
      %add3A_77 = vector.broadcast %add3A_76 : i32 to vector<16xi32>
      %add3A_78 = arith.addi %bitcast3A_67, %add3A_77 : vector<16xi32>
      %shift_right_logical3A_79 = arith.constant 16 : i32
      %shift_right_logical3A_80 = vector.broadcast %shift_right_logical3A_79 : i32 to vector<16xi32>
      %shift_right_logical3A_81 = arith.shrui %bitcast3A_67, %shift_right_logical3A_80 : vector<16xi32>
      %and3A_82 = arith.constant 1 : i32
      %and3A_83 = vector.broadcast %and3A_82 : i32 to vector<16xi32>
      %and3A_84 = arith.andi %shift_right_logical3A_81, %and3A_83 : vector<16xi32>
      %add3A_85 = arith.addi %add3A_78, %and3A_84 : vector<16xi32>
      %shift_right_logical3A_86 = arith.constant 16 : i32
      %shift_right_logical3A_87 = vector.broadcast %shift_right_logical3A_86 : i32 to vector<16xi32>
      %shift_right_logical3A_88 = arith.shrui %add3A_75, %shift_right_logical3A_87 : vector<16xi32>
      %and3A_89 = arith.constant -65536 : i32
      %and3A_90 = vector.broadcast %and3A_89 : i32 to vector<16xi32>
      %and3A_91 = arith.andi %add3A_85, %and3A_90 : vector<16xi32>
      %or3A = arith.ori %shift_right_logical3A_88, %and3A_91 : vector<16xi32>
      %bitcast3A_92 = vector.bitcast %or3A : vector<16xi32> to vector<16xi32>
      %swap3A = arith.index_cast %add3A_61 : i32 to index
      %swap3A_93 = arith.constant 0 : index
      %swap3A_94 = tpu.vector_load %arg11[%swap3A, %swap3A_93] {strides = array<i32>} : memref<64x64xi32, #tpu.memory_space<vmem>>, vector<16xi32>,
      tpu.vector_store %arg11[%swap3A, %swap3A_93], %bitcast3A_92 {strides = array<i32>} : memref<64x64xi32, #tpu.memory_space<vmem>>, vector<16xi32>,
      %get3A_95 = arith.index_cast %add3A_61 : i32 to index
      %get3A_96 = arith.constant 32 : index
      %get3A_97 = tpu.vector_load %arg10[%get3A_95, %get3A_96] {strides = array<i32>} : memref<64x128xf32, #tpu.memory_space<vmem>>, vector<16xf32>,
      %get3A_98 = arith.index_cast %add3A_61 : i32 to index
      %get3A_99 = arith.constant 48 : index
      %get3A_100 = tpu.vector_load %arg10[%get3A_98, %get3A_99] {strides = array<i32>} : memref<64x128xf32, #tpu.memory_space<vmem>>, vector<16xf32>,
      %bitcast3A_101 = vector.bitcast %get3A_97 : vector<16xf32> to vector<16xi32>
      %bitcast3A_102 = vector.bitcast %get3A_100 : vector<16xf32> to vector<16xi32>
      %add3A_103 = arith.constant 32767 : i32
      %add3A_104 = vector.broadcast %add3A_103 : i32 to vector<16xi32>
      %add3A_105 = arith.addi %bitcast3A_101, %add3A_104 : vector<16xi32>
      %shift_right_logical3A_106 = arith.constant 16 : i32
      %shift_right_logical3A_107 = vector.broadcast %shift_right_logical3A_106 : i32 to vector<16xi32>
      %shift_right_logical3A_108 = arith.shrui %bitcast3A_101, %shift_right_logical3A_107 : vector<16xi32>
      %and3A_109 = arith.constant 1 : i32
      %and3A_110 = vector.broadcast %and3A_109 : i32 to vector<16xi32>
      %and3A_111 = arith.andi %shift_right_logical3A_108, %and3A_110 : vector<16xi32>
      %add3A_112 = arith.addi %add3A_105, %and3A_111 : vector<16xi32>
      %add3A_113 = arith.constant 32767 : i32
      %add3A_114 = vector.broadcast %add3A_113 : i32 to vector<16xi32>
      %add3A_115 = arith.addi %bitcast3A_102, %add3A_114 : vector<16xi32>
      %shift_right_logical3A_116 = arith.constant 16 : i32
      %shift_right_logical3A_117 = vector.broadcast %shift_right_logical3A_116 : i32 to vector<16xi32>
      %shift_right_logical3A_118 = arith.shrui %bitcast3A_102, %shift_right_logical3A_117 : vector<16xi32>
      %and3A_119 = arith.constant 1 : i32
      %and3A_120 = vector.broadcast %and3A_119 : i32 to vector<16xi32>
      %and3A_121 = arith.andi %shift_right_logical3A_118, %and3A_120 : vector<16xi32>
      %add3A_122 = arith.addi %add3A_115, %and3A_121 : vector<16xi32>
      %shift_right_logical3A_123 = arith.constant 16 : i32
      %shift_right_logical3A_124 = vector.broadcast %shift_right_logical3A_123 : i32 to vector<16xi32>
      %shift_right_logical3A_125 = arith.shrui %add3A_112, %shift_right_logical3A_124 : vector<16xi32>
      %and3A_126 = arith.constant -65536 : i32
      %and3A_127 = vector.broadcast %and3A_126 : i32 to vector<16xi32>
      %and3A_128 = arith.andi %add3A_122, %and3A_127 : vector<16xi32>
      %or3A_129 = arith.ori %shift_right_logical3A_125, %and3A_128 : vector<16xi32>
      %bitcast3A_130 = vector.bitcast %or3A_129 : vector<16xi32> to vector<16xi32>
      %swap3A_131 = arith.index_cast %add3A_61 : i32 to index
      %swap3A_132 = arith.constant 16 : index
      %swap3A_133 = tpu.vector_load %arg11[%swap3A_131, %swap3A_132] {strides = array<i32>} : memref<64x64xi32, #tpu.memory_space<vmem>>, vector<16xi32>,
      tpu.vector_store %arg11[%swap3A_131, %swap3A_132], %bitcast3A_130 {strides = array<i32>} : memref<64x64xi32, #tpu.memory_space<vmem>>, vector<16xi32>,
      %get3A_134 = arith.index_cast %add3A_61 : i32 to index
      %get3A_135 = arith.constant 64 : index
      %get3A_136 = tpu.vector_load %arg10[%get3A_134, %get3A_135] {strides = array<i32>} : memref<64x128xf32, #tpu.memory_space<vmem>>, vector<16xf32>,
      %get3A_137 = arith.index_cast %add3A_61 : i32 to index
      %get3A_138 = arith.constant 80 : index
      %get3A_139 = tpu.vector_load %arg10[%get3A_137, %get3A_138] {strides = array<i32>} : memref<64x128xf32, #tpu.memory_space<vmem>>, vector<16xf32>,
      %bitcast3A_140 = vector.bitcast %get3A_136 : vector<16xf32> to vector<16xi32>
      %bitcast3A_141 = vector.bitcast %get3A_139 : vector<16xf32> to vector<16xi32>
      %add3A_142 = arith.constant 32767 : i32
      %add3A_143 = vector.broadcast %add3A_142 : i32 to vector<16xi32>
      %add3A_144 = arith.addi %bitcast3A_140, %add3A_143 : vector<16xi32>
      %shift_right_logical3A_145 = arith.constant 16 : i32
      %shift_right_logical3A_146 = vector.broadcast %shift_right_logical3A_145 : i32 to vector<16xi32>
      %shift_right_logical3A_147 = arith.shrui %bitcast3A_140, %shift_right_logical3A_146 : vector<16xi32>
      %and3A_148 = arith.constant 1 : i32
      %and3A_149 = vector.broadcast %and3A_148 : i32 to vector<16xi32>
      %and3A_150 = arith.andi %shift_right_logical3A_147, %and3A_149 : vector<16xi32>
      %add3A_151 = arith.addi %add3A_144, %and3A_150 : vector<16xi32>
      %add3A_152 = arith.constant 32767 : i32
      %add3A_153 = vector.broadcast %add3A_152 : i32 to vector<16xi32>
      %add3A_154 = arith.addi %bitcast3A_141, %add3A_153 : vector<16xi32>
      %shift_right_logical3A_155 = arith.constant 16 : i32
      %shift_right_logical3A_156 = vector.broadcast %shift_right_logical3A_155 : i32 to vector<16xi32>
      %shift_right_logical3A_157 = arith.shrui %bitcast3A_141, %shift_right_logical3A_156 : vector<16xi32>
      %and3A_158 = arith.constant 1 : i32
      %and3A_159 = vector.broadcast %and3A_158 : i32 to vector<16xi32>
      %and3A_160 = arith.andi %shift_right_logical3A_157, %and3A_159 : vector<16xi32>
      %add3A_161 = arith.addi %add3A_154, %and3A_160 : vector<16xi32>
      %shift_right_logical3A_162 = arith.constant 16 : i32
      %shift_right_logical3A_163 = vector.broadcast %shift_right_logical3A_162 : i32 to vector<16xi32>
      %shift_right_logical3A_164 = arith.shrui %add3A_151, %shift_right_logical3A_163 : vector<16xi32>
      %and3A_165 = arith.constant -65536 : i32
      %and3A_166 = vector.broadcast %and3A_165 : i32 to vector<16xi32>
      %and3A_167 = arith.andi %add3A_161, %and3A_166 : vector<16xi32>
      %or3A_168 = arith.ori %shift_right_logical3A_164, %and3A_167 : vector<16xi32>
      %bitcast3A_169 = vector.bitcast %or3A_168 : vector<16xi32> to vector<16xi32>
      %swap3A_170 = arith.index_cast %add3A_61 : i32 to index
      %swap3A_171 = arith.constant 32 : index
      %swap3A_172 = tpu.vector_load %arg11[%swap3A_170, %swap3A_171] {strides = array<i32>} : memref<64x64xi32, #tpu.memory_space<vmem>>, vector<16xi32>,
      tpu.vector_store %arg11[%swap3A_170, %swap3A_171], %bitcast3A_169 {strides = array<i32>} : memref<64x64xi32, #tpu.memory_space<vmem>>, vector<16xi32>,
      %get3A_173 = arith.index_cast %add3A_61 : i32 to index
      %get3A_174 = arith.constant 96 : index
      %get3A_175 = tpu.vector_load %arg10[%get3A_173, %get3A_174] {strides = array<i32>} : memref<64x128xf32, #tpu.memory_space<vmem>>, vector<16xf32>,
      %get3A_176 = arith.index_cast %add3A_61 : i32 to index
      %get3A_177 = arith.constant 112 : index
      %get3A_178 = tpu.vector_load %arg10[%get3A_176, %get3A_177] {strides = array<i32>} : memref<64x128xf32, #tpu.memory_space<vmem>>, vector<16xf32>,
      %bitcast3A_179 = vector.bitcast %get3A_175 : vector<16xf32> to vector<16xi32>
      %bitcast3A_180 = vector.bitcast %get3A_178 : vector<16xf32> to vector<16xi32>
      %add3A_181 = arith.constant 32767 : i32
      %add3A_182 = vector.broadcast %add3A_181 : i32 to vector<16xi32>
      %add3A_183 = arith.addi %bitcast3A_179, %add3A_182 : vector<16xi32>
      %shift_right_logical3A_184 = arith.constant 16 : i32
      %shift_right_logical3A_185 = vector.broadcast %shift_right_logical3A_184 : i32 to vector<16xi32>
      %shift_right_logical3A_186 = arith.shrui %bitcast3A_179, %shift_right_logical3A_185 : vector<16xi32>
      %and3A_187 = arith.constant 1 : i32
      %and3A_188 = vector.broadcast %and3A_187 : i32 to vector<16xi32>
      %and3A_189 = arith.andi %shift_right_logical3A_186, %and3A_188 : vector<16xi32>
      %add3A_190 = arith.addi %add3A_183, %and3A_189 : vector<16xi32>
      %add3A_191 = arith.constant 32767 : i32
      %add3A_192 = vector.broadcast %add3A_191 : i32 to vector<16xi32>
      %add3A_193 = arith.addi %bitcast3A_180, %add3A_192 : vector<16xi32>
      %shift_right_logical3A_194 = arith.constant 16 : i32
      %shift_right_logical3A_195 = vector.broadcast %shift_right_logical3A_194 : i32 to vector<16xi32>
      %shift_right_logical3A_196 = arith.shrui %bitcast3A_180, %shift_right_logical3A_195 : vector<16xi32>
      %and3A_197 = arith.constant 1 : i32
      %and3A_198 = vector.broadcast %and3A_197 : i32 to vector<16xi32>
      %and3A_199 = arith.andi %shift_right_logical3A_196, %and3A_198 : vector<16xi32>
      %add3A_200 = arith.addi %add3A_193, %and3A_199 : vector<16xi32>
      %shift_right_logical3A_201 = arith.constant 16 : i32
      %shift_right_logical3A_202 = vector.broadcast %shift_right_logical3A_201 : i32 to vector<16xi32>
      %shift_right_logical3A_203 = arith.shrui %add3A_190, %shift_right_logical3A_202 : vector<16xi32>
      %and3A_204 = arith.constant -65536 : i32
      %and3A_205 = vector.broadcast %and3A_204 : i32 to vector<16xi32>
      %and3A_206 = arith.andi %add3A_200, %and3A_205 : vector<16xi32>
      %or3A_207 = arith.ori %shift_right_logical3A_203, %and3A_206 : vector<16xi32>
      %bitcast3A_208 = vector.bitcast %or3A_207 : vector<16xi32> to vector<16xi32>
      %swap3A_209 = arith.index_cast %add3A_61 : i32 to index
      %swap3A_210 = arith.constant 48 : index
      %swap3A_211 = tpu.vector_load %arg11[%swap3A_209, %swap3A_210] {strides = array<i32>} : memref<64x64xi32, #tpu.memory_space<vmem>>, vector<16xi32>,
      tpu.vector_store %arg11[%swap3A_209, %swap3A_210], %bitcast3A_208 {strides = array<i32>} : memref<64x64xi32, #tpu.memory_space<vmem>>, vector<16xi32>,
    }
    %scan3A_54 = arith.constant 64 : i32
    %add3A_55 = arith.constant 256 : i32
    %add3A_56 = arith.addi %mul3A_0, %add3A_55 : i32
    "tpu.region"() ({
      %run_scoped3A = tpu.sem_alloc : memref<!tpu.dma_semaphore, #tpu.memory_space<semaphore_mem>>
      %dma_start3A = arith.constant 0 : i32
      %dma_start3A_57 = tpu.memref_slice %arg6[%arg0, %add3A_56, %dma_start3A] : memref<2x5120x64xi32, #tpu.memory_space<hbm>> -> memref<1x64x64xi32, #tpu.memory_space<hbm>>
      %dma_start3A_58 = tpu.memref_squeeze %dma_start3A_57 : memref<1x64x64xi32, #tpu.memory_space<hbm>> -> memref<64x64xi32, #tpu.memory_space<hbm>>
      %dma_start3A_59 = arith.constant 0 : i32
      %dma_start3A_60 = tpu.memref_slice %arg6[%arg0, %add3A_56, %dma_start3A_59] : memref<2x5120x64xi32, #tpu.memory_space<hbm>> -> memref<1x64x64xi32, #tpu.memory_space<hbm>>
      %dma_start3A_61 = tpu.memref_squeeze %dma_start3A_60 : memref<1x64x64xi32, #tpu.memory_space<hbm>> -> memref<64x64xi32, #tpu.memory_space<hbm>>
      tpu.enqueue_dma source(%arg11 : memref<64x64xi32, #tpu.memory_space<vmem>>) target(%dma_start3A_61 : memref<64x64xi32, #tpu.memory_space<hbm>>) target_semaphore(%run_scoped3A : memref<!tpu.dma_semaphore, #tpu.memory_space<semaphore_mem>>)
      %dma_wait3A = arith.constant 0 : i32
      %dma_wait3A_62 = tpu.memref_slice %arg6[%arg0, %add3A_56, %dma_wait3A] : memref<2x5120x64xi32, #tpu.memory_space<hbm>> -> memref<1x64x64xi32, #tpu.memory_space<hbm>>
      %dma_wait3A_63 = tpu.memref_squeeze %dma_wait3A_62 : memref<1x64x64xi32, #tpu.memory_space<hbm>> -> memref<64x64xi32, #tpu.memory_space<hbm>>
      %dma_wait3A_64 = arith.constant 0 : i32
      %dma_wait3A_65 = tpu.memref_slice %arg6[%arg0, %add3A_56, %dma_wait3A_64] : memref<2x5120x64xi32, #tpu.memory_space<hbm>> -> memref<1x64x64xi32, #tpu.memory_space<hbm>>
      %dma_wait3A_66 = tpu.memref_squeeze %dma_wait3A_65 : memref<1x64x64xi32, #tpu.memory_space<hbm>> -> memref<64x64xi32, #tpu.memory_space<hbm>>
      tpu.wait_dma2 semaphore(%run_scoped3A : memref<!tpu.dma_semaphore, #tpu.memory_space<semaphore_mem>>) src(%arg11 : memref<64x64xi32, #tpu.memory_space<vmem>>) dst(%dma_wait3A_66 : memref<64x64xi32, #tpu.memory_space<hbm>>)
      tpu.yield
    }) : () -> ()
    return
  }
}

module attributes {stable_mosaic.version = 14 : i64} {
  func.func @body(%arg0: i32, %arg1: memref<1008x128xf32, #tpu.memory_space<vmem>>, %arg2: memref<128x64xf32, #tpu.memory_space<vmem>>, %arg3: memref<1x64xf32, #tpu.memory_space<vmem>>, %arg4: memref<64x128xf32, #tpu.memory_space<vmem>>, %arg5: memref<1x128xf32, #tpu.memory_space<vmem>>, %arg6: memref<1008x128xf32, #tpu.memory_space<vmem>>) attributes {dimension_semantics = [#tpu.dimension_semantics<arbitrary>], iteration_bounds = array<i64: 10>, scalar_prefetch = 0 : i64, scratch_operands = 0 : i64, tpu.core_type = #tpu.core_type<tc>, window_params = [{transform_indices = @transform_0, window_bounds = array<i64: 1008, 128>}, {pipeline_mode = #tpu.pipeline_mode<synchronous>, transform_indices = @transform_1, window_bounds = array<i64: 128, 64>}, {pipeline_mode = #tpu.pipeline_mode<synchronous>, transform_indices = @transform_2, window_bounds = array<i64: 1, 64>}, {pipeline_mode = #tpu.pipeline_mode<synchronous>, transform_indices = @transform_3, window_bounds = array<i64: 64, 128>}, {pipeline_mode = #tpu.pipeline_mode<synchronous>, transform_indices = @transform_4, window_bounds = array<i64: 1, 128>}, {transform_indices = @transform_5, window_bounds = array<i64: 1008, 128>}]} {
    %get3A = arith.constant 0 : index
    %get3A_0 = arith.constant 0 : index
    %get3A_1 = vector.load %arg1[%get3A, %get3A_0] : memref<1008x128xf32, #tpu.memory_space<vmem>>, vector<1008x128xf32>
    %get3A_2 = arith.constant 0 : index
    %get3A_3 = arith.constant 0 : index
    %get3A_4 = vector.load %arg2[%get3A_2, %get3A_3] : memref<128x64xf32, #tpu.memory_space<vmem>>, vector<128x64xf32>
    %dot_general3A = arith.constant dense<0.000000e+00> : vector<1008x64xf32>
    %dot_general3A_5 = tpu.matmul %get3A_1, %get3A_4, %dot_general3A {dimension_numbers = #tpu.dot_dimension_numbers<[1], [0], [0], [1], [0, 0, 1, 1], [], []>, transpose_lhs_hint = false} : vector<1008x128xf32>, vector<128x64xf32>, vector<1008x64xf32> -> vector<1008x64xf32>
    %get3A_6 = arith.constant 0 : index
    %get3A_7 = arith.constant 0 : index
    %get3A_8 = vector.load %arg3[%get3A_6, %get3A_7] : memref<1x64xf32, #tpu.memory_space<vmem>>, vector<1x64xf32>
    %add3A = vector.broadcast %get3A_8 : vector<1x64xf32> to vector<1008x64xf32>
    %add3A_9 = arith.addf %dot_general3A_5, %add3A : vector<1008x64xf32>
    %max3A = arith.constant 0.000000e+00 : f32
    %max3A_10 = vector.broadcast %max3A : f32 to vector<1008x64xf32>
    %max3A_11 = arith.maximumf %add3A_9, %max3A_10 : vector<1008x64xf32>
    %get3A_12 = arith.constant 0 : index
    %get3A_13 = arith.constant 0 : index
    %get3A_14 = vector.load %arg4[%get3A_12, %get3A_13] : memref<64x128xf32, #tpu.memory_space<vmem>>, vector<64x128xf32>
    %dot_general3A_15 = arith.constant dense<0.000000e+00> : vector<1008x128xf32>
    %dot_general3A_16 = tpu.matmul %max3A_11, %get3A_14, %dot_general3A_15 {dimension_numbers = #tpu.dot_dimension_numbers<[1], [0], [0], [1], [0, 0, 1, 1], [], []>, transpose_lhs_hint = false} : vector<1008x64xf32>, vector<64x128xf32>, vector<1008x128xf32> -> vector<1008x128xf32>
    %get3A_17 = arith.constant 0 : index
    %get3A_18 = arith.constant 0 : index
    %get3A_19 = vector.load %arg5[%get3A_17, %get3A_18] : memref<1x128xf32, #tpu.memory_space<vmem>>, vector<1x128xf32>
    %add3A_20 = vector.broadcast %get3A_19 : vector<1x128xf32> to vector<1008x128xf32>
    %add3A_21 = arith.addf %dot_general3A_16, %add3A_20 : vector<1008x128xf32>
    %swap3A = arith.constant 0 : index
    %swap3A_22 = arith.constant 0 : index
    %swap3A_23 = vector.load %arg6[%swap3A, %swap3A_22] : memref<1008x128xf32, #tpu.memory_space<vmem>>, vector<1008x128xf32>
    tpu.vector_store %arg6[%swap3A, %swap3A_22], %add3A_21 {strides = array<i32>} : memref<1008x128xf32, #tpu.memory_space<vmem>>, vector<1008x128xf32>,
    return
  }
  func.func @transform_0(%arg0: i32) -> (i32, i32) {
    %c0_i32 = arith.constant 0 : i32
    %c0_i32_0 = arith.constant 0 : i32
    return %arg0, %c0_i32 : i32, i32
  }
  func.func @transform_1(%arg0: i32) -> (i32, i32) {
    %c0_i32 = arith.constant 0 : i32
    %c0_i32_0 = arith.constant 0 : i32
    %c0_i32_1 = arith.constant 0 : i32
    return %c0_i32, %c0_i32_0 : i32, i32
  }
  func.func @transform_2(%arg0: i32) -> (i32, i32) {
    %c0_i32 = arith.constant 0 : i32
    %c0_i32_0 = arith.constant 0 : i32
    %c0_i32_1 = arith.constant 0 : i32
    return %c0_i32, %c0_i32_0 : i32, i32
  }
  func.func @transform_3(%arg0: i32) -> (i32, i32) {
    %c0_i32 = arith.constant 0 : i32
    %c0_i32_0 = arith.constant 0 : i32
    %c0_i32_1 = arith.constant 0 : i32
    return %c0_i32, %c0_i32_0 : i32, i32
  }
  func.func @transform_4(%arg0: i32) -> (i32, i32) {
    %c0_i32 = arith.constant 0 : i32
    %c0_i32_0 = arith.constant 0 : i32
    %c0_i32_1 = arith.constant 0 : i32
    return %c0_i32, %c0_i32_0 : i32, i32
  }
  func.func @transform_5(%arg0: i32) -> (i32, i32) {
    %c0_i32 = arith.constant 0 : i32
    %c0_i32_0 = arith.constant 0 : i32
    return %arg0, %c0_i32 : i32, i32
  }
}

module attributes {stable_mosaic.version = 14 : i64} {
  func.func @body(%arg0: memref<16x128xf32, #tpu.memory_space<vmem>>, %arg1: memref<16x128xf32, #tpu.memory_space<vmem>>, %arg2: memref<16x128xf32, #tpu.memory_space<vmem>>, %arg3: memref<128x64xf32, #tpu.memory_space<vmem>>, %arg4: memref<128x64xf32, #tpu.memory_space<vmem>>, %arg5: memref<1x64xf32, #tpu.memory_space<vmem>>, %arg6: memref<64x128xf32, #tpu.memory_space<vmem>>, %arg7: memref<1x128xf32, #tpu.memory_space<vmem>>, %arg8: memref<16x128xf32, #tpu.memory_space<vmem>>) attributes {dimension_semantics = [], scalar_prefetch = 0 : i64, scratch_operands = 0 : i64, tpu.core_type = #tpu.core_type<tc>} {
    %get3A = arith.constant 0 : index
    %get3A_0 = arith.constant 0 : index
    %get3A_1 = vector.load %arg1[%get3A, %get3A_0] : memref<16x128xf32, #tpu.memory_space<vmem>>, vector<16x128xf32>
    %get3A_2 = arith.constant 0 : index
    %get3A_3 = arith.constant 0 : index
    %get3A_4 = vector.load %arg2[%get3A_2, %get3A_3] : memref<16x128xf32, #tpu.memory_space<vmem>>, vector<16x128xf32>
    %max3A = arith.constant 1.000000e+00 : f32
    %max3A_5 = vector.broadcast %max3A : f32 to vector<16x128xf32>
    %max3A_6 = arith.maximumf %get3A_4, %max3A_5 : vector<16x128xf32>
    %div3A = arith.divf %get3A_1, %max3A_6 : vector<16x128xf32>
    %get3A_7 = arith.constant 0 : index
    %get3A_8 = arith.constant 0 : index
    %get3A_9 = vector.load %arg0[%get3A_7, %get3A_8] : memref<16x128xf32, #tpu.memory_space<vmem>>, vector<16x128xf32>
    %get3A_10 = arith.constant 0 : index
    %get3A_11 = arith.constant 0 : index
    %get3A_12 = vector.load %arg3[%get3A_10, %get3A_11] : memref<128x64xf32, #tpu.memory_space<vmem>>, vector<128x64xf32>
    %dot_general3A = arith.constant dense<0.000000e+00> : vector<16x64xf32>
    %dot_general3A_13 = tpu.matmul %get3A_9, %get3A_12, %dot_general3A {dimension_numbers = #tpu.dot_dimension_numbers<[1], [0], [0], [1], [0, 0, 1, 1], [], []>, transpose_lhs_hint = false} : vector<16x128xf32>, vector<128x64xf32>, vector<16x64xf32> -> vector<16x64xf32>
    %get3A_14 = arith.constant 0 : index
    %get3A_15 = arith.constant 0 : index
    %get3A_16 = vector.load %arg4[%get3A_14, %get3A_15] : memref<128x64xf32, #tpu.memory_space<vmem>>, vector<128x64xf32>
    %dot_general3A_17 = arith.constant dense<0.000000e+00> : vector<16x64xf32>
    %dot_general3A_18 = tpu.matmul %div3A, %get3A_16, %dot_general3A_17 {dimension_numbers = #tpu.dot_dimension_numbers<[1], [0], [0], [1], [0, 0, 1, 1], [], []>, transpose_lhs_hint = false} : vector<16x128xf32>, vector<128x64xf32>, vector<16x64xf32> -> vector<16x64xf32>
    %add3A = arith.addf %dot_general3A_13, %dot_general3A_18 : vector<16x64xf32>
    %get3A_19 = arith.constant 0 : index
    %get3A_20 = arith.constant 0 : index
    %get3A_21 = vector.load %arg5[%get3A_19, %get3A_20] : memref<1x64xf32, #tpu.memory_space<vmem>>, vector<1x64xf32>
    %add3A_22 = vector.broadcast %get3A_21 : vector<1x64xf32> to vector<16x64xf32>
    %add3A_23 = arith.addf %add3A, %add3A_22 : vector<16x64xf32>
    %max3A_24 = arith.constant 0.000000e+00 : f32
    %max3A_25 = vector.broadcast %max3A_24 : f32 to vector<16x64xf32>
    %max3A_26 = arith.maximumf %add3A_23, %max3A_25 : vector<16x64xf32>
    %get3A_27 = arith.constant 0 : index
    %get3A_28 = arith.constant 0 : index
    %get3A_29 = vector.load %arg6[%get3A_27, %get3A_28] : memref<64x128xf32, #tpu.memory_space<vmem>>, vector<64x128xf32>
    %dot_general3A_30 = arith.constant dense<0.000000e+00> : vector<16x128xf32>
    %dot_general3A_31 = tpu.matmul %max3A_26, %get3A_29, %dot_general3A_30 {dimension_numbers = #tpu.dot_dimension_numbers<[1], [0], [0], [1], [0, 0, 1, 1], [], []>, transpose_lhs_hint = false} : vector<16x64xf32>, vector<64x128xf32>, vector<16x128xf32> -> vector<16x128xf32>
    %get3A_32 = arith.constant 0 : index
    %get3A_33 = arith.constant 0 : index
    %get3A_34 = vector.load %arg7[%get3A_32, %get3A_33] : memref<1x128xf32, #tpu.memory_space<vmem>>, vector<1x128xf32>
    %add3A_35 = vector.broadcast %get3A_34 : vector<1x128xf32> to vector<16x128xf32>
    %add3A_36 = arith.addf %dot_general3A_31, %add3A_35 : vector<16x128xf32>
    %swap3A = arith.constant 0 : index
    %swap3A_37 = arith.constant 0 : index
    %swap3A_38 = vector.load %arg8[%swap3A, %swap3A_37] : memref<16x128xf32, #tpu.memory_space<vmem>>, vector<16x128xf32>
    tpu.vector_store %arg8[%swap3A, %swap3A_37], %add3A_36 {strides = array<i32>} : memref<16x128xf32, #tpu.memory_space<vmem>>, vector<16x128xf32>,
    return
  }
}

module attributes {stable_mosaic.version = 14 : i64} {
  func.func @body(%arg0: i32, %arg1: memref<504x128xf32, #tpu.memory_space<vmem>>, %arg2: memref<1x504x64xi32, #tpu.memory_space<vmem>>, %arg3: memref<504x1xi32, #tpu.memory_space<vmem>>, %arg4: memref<16x128xf32, #tpu.memory_space<vmem>>, %arg5: memref<128x64xf32, #tpu.memory_space<vmem>>, %arg6: memref<64x64xf32, #tpu.memory_space<vmem>>, %arg7: memref<64x64xf32, #tpu.memory_space<vmem>>, %arg8: memref<128x64xf32, #tpu.memory_space<vmem>>, %arg9: memref<1x64xf32, #tpu.memory_space<vmem>>, %arg10: memref<64x128xf32, #tpu.memory_space<vmem>>, %arg11: memref<1x128xf32, #tpu.memory_space<vmem>>, %arg12: memref<504x128xf32, #tpu.memory_space<vmem>>, %arg13: memref<16x128xf32, #tpu.memory_space<vmem>>, %arg14: memref<16x128xf32, #tpu.memory_space<vmem>>) attributes {dimension_semantics = [#tpu.dimension_semantics<arbitrary>], iteration_bounds = array<i64: 20>, scalar_prefetch = 0 : i64, scratch_operands = 0 : i64, tpu.core_type = #tpu.core_type<tc>, window_params = [{transform_indices = @transform_0, window_bounds = array<i64: 504, 128>}, {transform_indices = @transform_1, window_bounds = array<i64: 1, 504, 64>}, {transform_indices = @transform_2, window_bounds = array<i64: 504, 1>}, {pipeline_mode = #tpu.pipeline_mode<synchronous>, transform_indices = @transform_3, window_bounds = array<i64: 16, 128>}, {pipeline_mode = #tpu.pipeline_mode<synchronous>, transform_indices = @transform_4, window_bounds = array<i64: 128, 64>}, {pipeline_mode = #tpu.pipeline_mode<synchronous>, transform_indices = @transform_5, window_bounds = array<i64: 64, 64>}, {pipeline_mode = #tpu.pipeline_mode<synchronous>, transform_indices = @transform_6, window_bounds = array<i64: 64, 64>}, {pipeline_mode = #tpu.pipeline_mode<synchronous>, transform_indices = @transform_7, window_bounds = array<i64: 128, 64>}, {pipeline_mode = #tpu.pipeline_mode<synchronous>, transform_indices = @transform_8, window_bounds = array<i64: 1, 64>}, {pipeline_mode = #tpu.pipeline_mode<synchronous>, transform_indices = @transform_9, window_bounds = array<i64: 64, 128>}, {pipeline_mode = #tpu.pipeline_mode<synchronous>, transform_indices = @transform_10, window_bounds = array<i64: 1, 128>}, {transform_indices = @transform_11, window_bounds = array<i64: 504, 128>}, {pipeline_mode = #tpu.pipeline_mode<synchronous>, transform_indices = @transform_12, window_bounds = array<i64: 16, 128>}, {pipeline_mode = #tpu.pipeline_mode<synchronous>, transform_indices = @transform_13, window_bounds = array<i64: 16, 128>}]} {
    %get3A = arith.constant 0 : index
    %get3A_0 = arith.constant 0 : index
    %get3A_1 = arith.constant 0 : index
    %get3A_2 = vector.load %arg2[%get3A, %get3A_0, %get3A_1] : memref<1x504x64xi32, #tpu.memory_space<vmem>>, vector<1x504x64xi32>
    %get3A_3 = vector.shape_cast %get3A_2 : vector<1x504x64xi32> to vector<504x64xi32>
    %shift_left3A = arith.constant 16 : i32
    %shift_left3A_4 = vector.broadcast %shift_left3A : i32 to vector<504x64xi32>
    %shift_left3A_5 = arith.shli %get3A_3, %shift_left3A_4 : vector<504x64xi32>
    %bitcast_convert_type3A = tpu.bitcast %shift_left3A_5 : vector<504x64xi32> -> vector<504x64xf32>
    %and3A = arith.constant -65536 : i32
    %and3A_6 = vector.broadcast %and3A : i32 to vector<504x64xi32>
    %and3A_7 = arith.andi %get3A_3, %and3A_6 : vector<504x64xi32>
    %bitcast_convert_type3A_8 = tpu.bitcast %and3A_7 : vector<504x64xi32> -> vector<504x64xf32>
    %slice3A = vector.extract_strided_slice %bitcast_convert_type3A {offsets = [0, 32], sizes = [504, 1], strides = [1, 1]} : vector<504x64xf32> to vector<504x1xf32>
    %max3A = arith.constant 1.000000e+00 : f32
    %max3A_9 = vector.broadcast %max3A : f32 to vector<504x1xf32>
    %max3A_10 = arith.maximumf %slice3A, %max3A_9 : vector<504x1xf32>
    %div3A = arith.constant 1.000000e+00 : f32
    %div3A_11 = vector.broadcast %div3A : f32 to vector<504x1xf32>
    %div3A_12 = arith.divf %div3A_11, %max3A_10 : vector<504x1xf32>
    %get3A_13 = arith.constant 0 : index
    %get3A_14 = arith.constant 0 : index
    %get3A_15 = vector.load %arg3[%get3A_13, %get3A_14] : memref<504x1xi32, #tpu.memory_space<vmem>>, vector<504x1xi32>
    %iota3A = tpu.iota {dimensions = array<i32: 1>} : vector<1x16xi32>
    %eq3A = vector.broadcast %get3A_15 : vector<504x1xi32> to vector<504x16xi32>
    %eq3A_16 = vector.broadcast %iota3A : vector<1x16xi32> to vector<504x16xi32>
    %eq3A_17 = arith.cmpi eq, %eq3A, %eq3A_16 : vector<504x16xi32>
    %convert_element_type3A = arith.extui %eq3A_17 : vector<504x16xi1> to vector<504x16xi32>
    %convert_element_type3A_18 = arith.sitofp %convert_element_type3A : vector<504x16xi32> to vector<504x16xf32>
    %get3A_19 = arith.constant 0 : index
    %get3A_20 = arith.constant 0 : index
    %get3A_21 = vector.load %arg4[%get3A_19, %get3A_20] : memref<16x128xf32, #tpu.memory_space<vmem>>, vector<16x128xf32>
    %get3A_22 = arith.constant 0 : index
    %get3A_23 = arith.constant 0 : index
    %get3A_24 = vector.load %arg8[%get3A_22, %get3A_23] : memref<128x64xf32, #tpu.memory_space<vmem>>, vector<128x64xf32>
    %dot_general3A = arith.constant dense<0.000000e+00> : vector<16x64xf32>
    %dot_general3A_25 = tpu.matmul %get3A_21, %get3A_24, %dot_general3A {dimension_numbers = #tpu.dot_dimension_numbers<[1], [0], [0], [1], [0, 0, 1, 1], [], []>, transpose_lhs_hint = false} : vector<16x128xf32>, vector<128x64xf32>, vector<16x64xf32> -> vector<16x64xf32>
    %get3A_26 = arith.constant 0 : index
    %get3A_27 = arith.constant 0 : index
    %get3A_28 = vector.load %arg1[%get3A_26, %get3A_27] : memref<504x128xf32, #tpu.memory_space<vmem>>, vector<504x128xf32>
    %get3A_29 = arith.constant 0 : index
    %get3A_30 = arith.constant 0 : index
    %get3A_31 = vector.load %arg5[%get3A_29, %get3A_30] : memref<128x64xf32, #tpu.memory_space<vmem>>, vector<128x64xf32>
    %dot_general3A_32 = arith.constant dense<0.000000e+00> : vector<504x64xf32>
    %dot_general3A_33 = tpu.matmul %get3A_28, %get3A_31, %dot_general3A_32 {dimension_numbers = #tpu.dot_dimension_numbers<[1], [0], [0], [1], [0, 0, 1, 1], [], []>, transpose_lhs_hint = false} : vector<504x128xf32>, vector<128x64xf32>, vector<504x64xf32> -> vector<504x64xf32>
    %mul3A = vector.broadcast %div3A_12 : vector<504x1xf32> to vector<504x64xf32>
    %mul3A_34 = arith.mulf %bitcast_convert_type3A, %mul3A : vector<504x64xf32>
    %get3A_35 = arith.constant 0 : index
    %get3A_36 = arith.constant 0 : index
    %get3A_37 = vector.load %arg6[%get3A_35, %get3A_36] : memref<64x64xf32, #tpu.memory_space<vmem>>, vector<64x64xf32>
    %dot_general3A_38 = arith.constant dense<0.000000e+00> : vector<504x64xf32>
    %dot_general3A_39 = tpu.matmul %mul3A_34, %get3A_37, %dot_general3A_38 {dimension_numbers = #tpu.dot_dimension_numbers<[1], [0], [0], [1], [0, 0, 1, 1], [], []>, transpose_lhs_hint = false} : vector<504x64xf32>, vector<64x64xf32>, vector<504x64xf32> -> vector<504x64xf32>
    %add3A = arith.addf %dot_general3A_33, %dot_general3A_39 : vector<504x64xf32>
    %mul3A_40 = vector.broadcast %div3A_12 : vector<504x1xf32> to vector<504x64xf32>
    %mul3A_41 = arith.mulf %bitcast_convert_type3A_8, %mul3A_40 : vector<504x64xf32>
    %get3A_42 = arith.constant 0 : index
    %get3A_43 = arith.constant 0 : index
    %get3A_44 = vector.load %arg7[%get3A_42, %get3A_43] : memref<64x64xf32, #tpu.memory_space<vmem>>, vector<64x64xf32>
    %dot_general3A_45 = arith.constant dense<0.000000e+00> : vector<504x64xf32>
    %dot_general3A_46 = tpu.matmul %mul3A_41, %get3A_44, %dot_general3A_45 {dimension_numbers = #tpu.dot_dimension_numbers<[1], [0], [0], [1], [0, 0, 1, 1], [], []>, transpose_lhs_hint = false} : vector<504x64xf32>, vector<64x64xf32>, vector<504x64xf32> -> vector<504x64xf32>
    %add3A_47 = arith.addf %add3A, %dot_general3A_46 : vector<504x64xf32>
    %dot_general3A_48 = arith.constant dense<0.000000e+00> : vector<504x64xf32>
    %dot_general3A_49 = tpu.matmul %convert_element_type3A_18, %dot_general3A_25, %dot_general3A_48 {dimension_numbers = #tpu.dot_dimension_numbers<[1], [0], [0], [1], [0, 0, 1, 1], [], []>, transpose_lhs_hint = false} : vector<504x16xf32>, vector<16x64xf32>, vector<504x64xf32> -> vector<504x64xf32>
    %add3A_50 = arith.addf %add3A_47, %dot_general3A_49 : vector<504x64xf32>
    %get3A_51 = arith.constant 0 : index
    %get3A_52 = arith.constant 0 : index
    %get3A_53 = vector.load %arg9[%get3A_51, %get3A_52] : memref<1x64xf32, #tpu.memory_space<vmem>>, vector<1x64xf32>
    %add3A_54 = vector.broadcast %get3A_53 : vector<1x64xf32> to vector<504x64xf32>
    %add3A_55 = arith.addf %add3A_50, %add3A_54 : vector<504x64xf32>
    %max3A_56 = arith.constant 0.000000e+00 : f32
    %max3A_57 = vector.broadcast %max3A_56 : f32 to vector<504x64xf32>
    %max3A_58 = arith.maximumf %add3A_55, %max3A_57 : vector<504x64xf32>
    %get3A_59 = arith.constant 0 : index
    %get3A_60 = arith.constant 0 : index
    %get3A_61 = vector.load %arg10[%get3A_59, %get3A_60] : memref<64x128xf32, #tpu.memory_space<vmem>>, vector<64x128xf32>
    %dot_general3A_62 = arith.constant dense<0.000000e+00> : vector<504x128xf32>
    %dot_general3A_63 = tpu.matmul %max3A_58, %get3A_61, %dot_general3A_62 {dimension_numbers = #tpu.dot_dimension_numbers<[1], [0], [0], [1], [0, 0, 1, 1], [], []>, transpose_lhs_hint = false} : vector<504x64xf32>, vector<64x128xf32>, vector<504x128xf32> -> vector<504x128xf32>
    %get3A_64 = arith.constant 0 : index
    %get3A_65 = arith.constant 0 : index
    %get3A_66 = vector.load %arg11[%get3A_64, %get3A_65] : memref<1x128xf32, #tpu.memory_space<vmem>>, vector<1x128xf32>
    %add3A_67 = vector.broadcast %get3A_66 : vector<1x128xf32> to vector<504x128xf32>
    %add3A_68 = arith.addf %dot_general3A_63, %add3A_67 : vector<504x128xf32>
    %swap3A = arith.constant 0 : index
    %swap3A_69 = arith.constant 0 : index
    %swap3A_70 = vector.load %arg12[%swap3A, %swap3A_69] : memref<504x128xf32, #tpu.memory_space<vmem>>, vector<504x128xf32>
    tpu.vector_store %arg12[%swap3A, %swap3A_69], %add3A_68 {strides = array<i32>} : memref<504x128xf32, #tpu.memory_space<vmem>>, vector<504x128xf32>,
    %eq3A_71 = arith.constant 0 : i32
    %eq3A_72 = arith.cmpi eq, %arg0, %eq3A_71 : i32
    %convert_element_type3A_73 = arith.extui %eq3A_72 : i1 to i32
    %cond3A = arith.constant 0 : i32
    %cond3A_74 = arith.cmpi ne, %convert_element_type3A_73, %cond3A : i32
    scf.if %cond3A_74 {
      %broadcast_in_dim3A_94 = arith.constant 0.000000e+00 : f32
      %broadcast_in_dim3A_95 = vector.broadcast %broadcast_in_dim3A_94 : f32 to vector<16x128xf32>
      %swap3A_96 = arith.constant 0 : index
      %swap3A_97 = arith.constant 0 : index
      %swap3A_98 = vector.load %arg13[%swap3A_96, %swap3A_97] : memref<16x128xf32, #tpu.memory_space<vmem>>, vector<16x128xf32>
      tpu.vector_store %arg13[%swap3A_96, %swap3A_97], %broadcast_in_dim3A_95 {strides = array<i32>} : memref<16x128xf32, #tpu.memory_space<vmem>>, vector<16x128xf32>,
      %broadcast_in_dim3A_99 = arith.constant 0.000000e+00 : f32
      %broadcast_in_dim3A_100 = vector.broadcast %broadcast_in_dim3A_99 : f32 to vector<16x128xf32>
      %swap3A_101 = arith.constant 0 : index
      %swap3A_102 = arith.constant 0 : index
      %swap3A_103 = vector.load %arg14[%swap3A_101, %swap3A_102] : memref<16x128xf32, #tpu.memory_space<vmem>>, vector<16x128xf32>
      tpu.vector_store %arg14[%swap3A_101, %swap3A_102], %broadcast_in_dim3A_100 {strides = array<i32>} : memref<16x128xf32, #tpu.memory_space<vmem>>, vector<16x128xf32>,
    } else {
    }
    %get3A_75 = arith.constant 0 : index
    %get3A_76 = arith.constant 0 : index
    %get3A_77 = vector.load %arg13[%get3A_75, %get3A_76] : memref<16x128xf32, #tpu.memory_space<vmem>>, vector<16x128xf32>
    %dot_general3A_78 = arith.constant dense<0.000000e+00> : vector<16x128xf32>
    %dot_general3A_79 = tpu.matmul %convert_element_type3A_18, %add3A_68, %dot_general3A_78 {dimension_numbers = #tpu.dot_dimension_numbers<[0], [0], [1], [1], [0, 1, 1, 1], [], []>, transpose_lhs_hint = false} : vector<504x16xf32>, vector<504x128xf32>, vector<16x128xf32> -> vector<16x128xf32>
    %add3A_80 = arith.addf %get3A_77, %dot_general3A_79 : vector<16x128xf32>
    %swap3A_81 = arith.constant 0 : index
    %swap3A_82 = arith.constant 0 : index
    %swap3A_83 = vector.load %arg13[%swap3A_81, %swap3A_82] : memref<16x128xf32, #tpu.memory_space<vmem>>, vector<16x128xf32>
    tpu.vector_store %arg13[%swap3A_81, %swap3A_82], %add3A_80 {strides = array<i32>} : memref<16x128xf32, #tpu.memory_space<vmem>>, vector<16x128xf32>,
    %get3A_84 = arith.constant 0 : index
    %get3A_85 = arith.constant 0 : index
    %get3A_86 = vector.load %arg14[%get3A_84, %get3A_85] : memref<16x128xf32, #tpu.memory_space<vmem>>, vector<16x128xf32>
    %reduce_sum3A = arith.constant dense<0.000000e+00> : vector<16xf32>
    %reduce_sum3A_87 = vector.multi_reduction <add>, %convert_element_type3A_18, %reduce_sum3A [0] : vector<504x16xf32> to vector<16xf32>
    %broadcast_in_dim3A = vector.shape_cast %reduce_sum3A_87 : vector<16xf32> to vector<16x1xf32>
    %broadcast_in_dim3A_88 = vector.shape_cast %broadcast_in_dim3A : vector<16x1xf32> to vector<16x1xf32>
    %broadcast_in_dim3A_89 = vector.broadcast %broadcast_in_dim3A_88 : vector<16x1xf32> to vector<16x128xf32>
    %add3A_90 = arith.addf %get3A_86, %broadcast_in_dim3A_89 : vector<16x128xf32>
    %swap3A_91 = arith.constant 0 : index
    %swap3A_92 = arith.constant 0 : index
    %swap3A_93 = vector.load %arg14[%swap3A_91, %swap3A_92] : memref<16x128xf32, #tpu.memory_space<vmem>>, vector<16x128xf32>
    tpu.vector_store %arg14[%swap3A_91, %swap3A_92], %add3A_90 {strides = array<i32>} : memref<16x128xf32, #tpu.memory_space<vmem>>, vector<16x128xf32>,
    return
  }
  func.func @transform_0(%arg0: i32) -> (i32, i32) {
    %c0_i32 = arith.constant 0 : i32
    %c0_i32_0 = arith.constant 0 : i32
    return %arg0, %c0_i32 : i32, i32
  }
  func.func @transform_1(%arg0: i32) -> (i32, i32, i32) {
    %jit3A = arith.constant 10 : i32
    %div3A = arith.divsi %arg0, %jit3A : i32
    %sign3A = arith.constant 0 : i32
    %sign3A_0 = arith.cmpi sgt, %arg0, %sign3A : i32
    %sign3A_1 = arith.extui %sign3A_0 : i1 to i32
    %sign3A_2 = arith.constant 0 : i32
    %sign3A_3 = arith.cmpi slt, %arg0, %sign3A_2 : i32
    %sign3A_4 = arith.extui %sign3A_3 : i1 to i32
    %sign3A_5 = arith.subi %sign3A_1, %sign3A_4 : i32
    %sign3A_6 = arith.constant 0 : i32
    %sign3A_7 = arith.cmpi sgt, %jit3A, %sign3A_6 : i32
    %sign3A_8 = arith.extui %sign3A_7 : i1 to i32
    %sign3A_9 = arith.constant 0 : i32
    %sign3A_10 = arith.cmpi slt, %jit3A, %sign3A_9 : i32
    %sign3A_11 = arith.extui %sign3A_10 : i1 to i32
    %sign3A_12 = arith.subi %sign3A_8, %sign3A_11 : i32
    %ne3A = arith.cmpi ne, %sign3A_5, %sign3A_12 : i32
    %rem3A = arith.remsi %arg0, %jit3A : i32
    %ne3A_13 = arith.constant 0 : i32
    %ne3A_14 = arith.cmpi ne, %rem3A, %ne3A_13 : i32
    %and3A = arith.andi %ne3A, %ne3A_14 : i1
    %sub3A = arith.constant 1 : i32
    %sub3A_15 = arith.subi %div3A, %sub3A : i32
    %select_n3A = arith.select %and3A, %sub3A_15, %div3A : i32
    %jit3A_16 = arith.constant 10 : i32
    %eq3A = arith.constant 0 : i32
    %eq3A_17 = arith.cmpi eq, %jit3A_16, %eq3A : i32
    %jit3A_18 = arith.constant 1 : i32
    %select_n3A_19 = arith.select %eq3A_17, %jit3A_18, %jit3A_16 : i32
    %rem3A_20 = arith.remsi %arg0, %select_n3A_19 : i32
    %ne3A_21 = arith.constant 0 : i32
    %ne3A_22 = arith.cmpi ne, %rem3A_20, %ne3A_21 : i32
    %lt3A = arith.constant 0 : i32
    %lt3A_23 = arith.cmpi slt, %rem3A_20, %lt3A : i32
    %lt3A_24 = arith.constant 0 : i32
    %lt3A_25 = arith.cmpi slt, %select_n3A_19, %lt3A_24 : i32
    %ne3A_26 = arith.xori %lt3A_23, %lt3A_25 : i1
    %and3A_27 = arith.andi %ne3A_26, %ne3A_22 : i1
    %add3A = arith.addi %rem3A_20, %select_n3A_19 : i32
    %select_n3A_28 = arith.select %and3A_27, %add3A, %rem3A_20 : i32
    %c0_i32 = arith.constant 0 : i32
    %c0_i32_29 = arith.constant 0 : i32
    return %select_n3A, %select_n3A_28, %c0_i32 : i32, i32, i32
  }
  func.func @transform_2(%arg0: i32) -> (i32, i32) {
    %c0_i32 = arith.constant 0 : i32
    %c0_i32_0 = arith.constant 0 : i32
    return %arg0, %c0_i32 : i32, i32
  }
  func.func @transform_3(%arg0: i32) -> (i32, i32) {
    %c0_i32 = arith.constant 0 : i32
    %c0_i32_0 = arith.constant 0 : i32
    %c0_i32_1 = arith.constant 0 : i32
    return %c0_i32, %c0_i32_0 : i32, i32
  }
  func.func @transform_4(%arg0: i32) -> (i32, i32) {
    %c0_i32 = arith.constant 0 : i32
    %c0_i32_0 = arith.constant 0 : i32
    %c0_i32_1 = arith.constant 0 : i32
    return %c0_i32, %c0_i32_0 : i32, i32
  }
  func.func @transform_5(%arg0: i32) -> (i32, i32) {
    %c0_i32 = arith.constant 0 : i32
    %c0_i32_0 = arith.constant 0 : i32
    %c0_i32_1 = arith.constant 0 : i32
    return %c0_i32, %c0_i32_0 : i32, i32
  }
  func.func @transform_6(%arg0: i32) -> (i32, i32) {
    %c0_i32 = arith.constant 0 : i32
    %c0_i32_0 = arith.constant 0 : i32
    %c0_i32_1 = arith.constant 0 : i32
    return %c0_i32, %c0_i32_0 : i32, i32
  }
  func.func @transform_7(%arg0: i32) -> (i32, i32) {
    %c0_i32 = arith.constant 0 : i32
    %c0_i32_0 = arith.constant 0 : i32
    %c0_i32_1 = arith.constant 0 : i32
    return %c0_i32, %c0_i32_0 : i32, i32
  }
  func.func @transform_8(%arg0: i32) -> (i32, i32) {
    %c0_i32 = arith.constant 0 : i32
    %c0_i32_0 = arith.constant 0 : i32
    %c0_i32_1 = arith.constant 0 : i32
    return %c0_i32, %c0_i32_0 : i32, i32
  }
  func.func @transform_9(%arg0: i32) -> (i32, i32) {
    %c0_i32 = arith.constant 0 : i32
    %c0_i32_0 = arith.constant 0 : i32
    %c0_i32_1 = arith.constant 0 : i32
    return %c0_i32, %c0_i32_0 : i32, i32
  }
  func.func @transform_10(%arg0: i32) -> (i32, i32) {
    %c0_i32 = arith.constant 0 : i32
    %c0_i32_0 = arith.constant 0 : i32
    %c0_i32_1 = arith.constant 0 : i32
    return %c0_i32, %c0_i32_0 : i32, i32
  }
  func.func @transform_11(%arg0: i32) -> (i32, i32) {
    %c0_i32 = arith.constant 0 : i32
    %c0_i32_0 = arith.constant 0 : i32
    return %arg0, %c0_i32 : i32, i32
  }
  func.func @transform_12(%arg0: i32) -> (i32, i32) {
    %c0_i32 = arith.constant 0 : i32
    %c0_i32_0 = arith.constant 0 : i32
    %c0_i32_1 = arith.constant 0 : i32
    return %c0_i32, %c0_i32_0 : i32, i32
  }
  func.func @transform_13(%arg0: i32) -> (i32, i32) {
    %c0_i32 = arith.constant 0 : i32
    %c0_i32_0 = arith.constant 0 : i32
    %c0_i32_1 = arith.constant 0 : i32
    return %c0_i32, %c0_i32_0 : i32, i32
  }
}

</mosaic_0001>

<sc_bundles>
// kernel: closed_call.18.cloned.1.call-start
scs
__scs_entry_jumppad:
0x0: {  	(pc) =	sbr.rel $0x88, $3  }
0x1: {  	(tag) =	ssettag $0x0;
	lr =	simm.s32 $0x1  }
0x2: {  	[smem:$0x3F79] =	sst lr;
	_ =	strace $0xD0000000  }
0x3: {  	_ = 	snop  }
0x4: {  	_ = 	snop  }
0x5: {  	_ = 	snop  }
0x6: {  	_ = 	snop  }
0x7: {  	_ = 	snop  }
__scs_overlays_trampoline_lowered:
0x8: {  	[smem:$0x3F88] =	sst s0  }
0x9: {  	[smem:$0x3F89] =	sst s1  }
0xa: {  	[smem:$0x3F8A] =	sst s2  }
0xb: {  	[smem:$0x3F8B] =	sst s3  }
0xc: {  	[smem:$0x3F8C] =	sst s4  }
0xd: {  	[smem:$0x3F8D] =	sst s5  }
0xe: {  	[smem:$0x3F8E] =	sst s6  }
0xf: {  	[smem:$0x3F8F] =	sst s7  }
0x10: {  	[smem:$0x3F90] =	sst s8  }
0x11: {  	[smem:$0x3F91] =	sst s9;
	s0 =	simm.s32 @!p0 $0x0  }
0x12: {  	s1 =	sld [smem:$0x3F77];
	s0 =	simm.s32 @p0 $0x1  }
0x13: {  	[smem:$0x3F92] =	sst s0;
	s0 =	simm.s32 @!p1 $0x0  }
0x14: {  	s2 =	sld [smem:$0x3F76];
	s0 =	simm.s32 @p1 $0x1  }
0x15: {  	[smem:$0x3F93] =	sst s0;
	s0 =	simm.s32 @!p2 $0x0  }
0x16: {  	s3 =	sld [smem:$0x3FDB];
	s0 =	simm.s32 @p2 $0x1  }
0x17: {  	s4 =	simm.s32 $0x1BF5;
	[smem:$0x3F95] =	sst s0  }
0x18: {  	s0 =	sld [smem:$0x3F78];
	_ =	swait.ge [sflag:s4], $0x0  }
0x19: {  	s7 =	sld [smem:$0x3F79]  }
0x1a: {  	s8 =	sadd.s32 $0xFFFFE003, lr  }
0x1b: {  	s9 =	sadd.s32 $0xFFFFFEF7, lr;
	s5 =	simm.s32 $0xFFFFFFFF;
	p2 =	slt.u32 s8, $0xFFFFF086  }
0x1c: {  	p1 =	slt.u32 s9, $0xF7A;
	s5 =	simm.s32 @!p2 $0x0  }
0x1d: {  	s5 =	simm.s32 @p1 $0x1;
	p0 =	seq.s32 s7, s2  }
0x1e: {  	s7 =	smul.u32 @!p0 $0xF7A, s2;
	p2 =	seq.s32 @!p0 s5, $0x0  }
0x1f: {  	s9 =	smul.u32 $0xF7A, s1;
	s8 =	simm.s32 @!p0 $0x1BF5;
	p2 =	por !p2, p0  }
0x20: {  	[sflag:s8] =	ssyncset.s32 @!p0 $0xFFFFF086;
	s6 =	sadd.s32 @!p0 s3, s7;
	s7 =	simm.s32 @!p0 $0x108  }
0x21: {  	s3 =	sadd.s32 s3, s9;
	s6 =	sadd.s32 @!p0 $0x88, s6;
	s7 =	simm.s32 @p2 $0x1082  }
0x22: {  	[simem:s7], [sflag:s8] =	dma.local @!p0 [hbm:s6], $0xF7A  }
0x23: {  	s9 =	sor.u32 $0xD0000000, s2;
	s6 =	simm.s32 $0x108;
	_ =	swait.ge @!p0 [sflag:s8], $0x0  }
0x24: {  	s3 =	sadd.s32 $0x88, s3;
	s6 =	simm.s32 @!p1 $0x1082;
	[sflag:s4] =	ssyncset.s32 $0xFFFFF086  }
0x25: {  	[simem:s6], [sflag:s4] =	dma.local [hbm:s3], $0xF7A  }
0x26: {  	[smem:$0x3F79] =	sst s1;
	(tag) =	ssettag s2;
	_ =	strace s9  }
0x27: {  	s1 =	sld [smem:$0x3F89]  }
0x28: {  	s2 =	sld [smem:$0x3F8A]  }
0x29: {  	s4 =	sld [smem:$0x3F8C]  }
0x2a: {  	p0 =	seq.s32 s5, $0x0;
	s5 =	sld [smem:$0x3F8D]  }
0x2b: {  	s6 =	sld [smem:$0x3F8E]  }
0x2c: {  	s7 =	sld [smem:$0x3F8F]  }
0x2d: {  	s3 =	simm.s32 $0x108;
	s8 =	sld [smem:$0x3F90]  }
0x2e: {  	s3 =	simm.s32 @!p0 $0x1082;
	s9 =	sld [smem:$0x3F91]  }
0x2f: {  	lr =	sadd.s32 s0, s3;
	s0 =	sld [smem:$0x3F88]  }
0x30: {  	s3 =	sld [smem:$0x3F8B]  }
0x31: {  	[smem:$0x3F94] =	sst s10  }
0x32: {  	s10 =	sld [smem:$0x3F92];
	_ =	sdelay $0x3  }
0x33: {  	p0 =	seq.s32 s10, $0x1;
	s10 =	sld [smem:$0x3F94];
	_ =	sdelay $0x3  }
0x34: {  	[smem:$0x3F94] =	sst s10  }
0x35: {  	s10 =	sld [smem:$0x3F93];
	_ =	sdelay $0x3  }
0x36: {  	p1 =	seq.s32 s10, $0x1;
	s10 =	sld [smem:$0x3F94];
	_ =	sdelay $0x3  }
0x37: {  	[smem:$0x3F94] =	sst s10  }
0x38: {  	s10 =	sld [smem:$0x3F95]  }
0x39: {  	_ = 	snop;
	(pc) =	sbr.ind lr, $3  }
0x3a: {  	_ = 	snop  }
0x3b: {  	_ = 	snop  }
0x3c: {  	p2 =	seq.s32 s10, $0x1;
	s10 =	sld [smem:$0x3F94]  }
0x3d: {  	_ =	shalt  }
0x3e: {  	_ =	shalt  }
0x3f: {  	_ =	shalt  }
0x40: {  	_ =	shalt  }
0x41: {  	_ =	shalt  }
0x42: {  	_ =	shalt  }
0x43: {  	_ =	shalt  }
0x44: {  	_ =	shalt  }
0x45: {  	_ =	shalt  }
0x46: {  	_ =	shalt  }
0x47: {  	_ =	shalt  }
0x48: {  	_ =	shalt  }
0x49: {  	_ =	shalt  }
0x4a: {  	_ =	shalt  }
0x4b: {  	_ =	shalt  }
0x4c: {  	_ =	shalt  }
0x4d: {  	_ =	shalt  }
0x4e: {  	_ =	shalt  }
0x4f: {  	_ =	shalt  }
0x50: {  	_ =	shalt  }
0x51: {  	_ =	shalt  }
0x52: {  	_ =	shalt  }
0x53: {  	_ =	shalt  }
0x54: {  	_ =	shalt  }
0x55: {  	_ =	shalt  }
0x56: {  	_ =	shalt  }
0x57: {  	_ =	shalt  }
0x58: {  	_ =	shalt  }
0x59: {  	_ =	shalt  }
0x5a: {  	_ =	shalt  }
0x5b: {  	_ =	shalt  }
0x5c: {  	_ =	shalt  }
0x5d: {  	_ =	shalt  }
0x5e: {  	_ =	shalt  }
0x5f: {  	_ =	shalt  }
0x60: {  	_ =	shalt  }
0x61: {  	_ =	shalt  }
0x62: {  	_ =	shalt  }
0x63: {  	_ =	shalt  }
0x64: {  	_ =	shalt  }
0x65: {  	_ =	shalt  }
0x66: {  	_ =	shalt  }
0x67: {  	_ =	shalt  }
0x68: {  	_ =	shalt  }
0x69: {  	_ =	shalt  }
0x6a: {  	_ =	shalt  }
0x6b: {  	_ =	shalt  }
0x6c: {  	_ =	shalt  }
0x6d: {  	_ =	shalt  }
0x6e: {  	_ =	shalt  }
0x6f: {  	_ =	shalt  }
0x70: {  	_ =	shalt  }
0x71: {  	_ =	shalt  }
0x72: {  	_ =	shalt  }
0x73: {  	_ =	shalt  }
0x74: {  	_ =	shalt  }
0x75: {  	_ =	shalt  }
0x76: {  	_ =	shalt  }
0x77: {  	_ =	shalt  }
0x78: {  	_ =	shalt  }
0x79: {  	_ =	shalt  }
0x7a: {  	_ =	shalt  }
0x7b: {  	_ =	shalt  }
0x7c: {  	_ =	shalt  }
0x7d: {  	_ =	shalt  }
0x7e: {  	_ =	shalt  }
0x7f: {  	_ =	shalt  }
0x80: {  	_ =	shalt  }
0x81: {  	_ =	shalt  }
0x82: {  	_ =	shalt  }
0x83: {  	_ =	shalt  }
0x84: {  	_ =	shalt  }
0x85: {  	_ =	shalt  }
0x86: {  	_ =	shalt  }
0x87: {  	_ =	shalt  }
.Lfunc_end0:
.L_simem_size_0:
called_computation_lowered:
.L_overlay_start_0:
0x88: {  	s2 =	sld [smem:$0x3FD9]  }
0x89: {  	s3 =	sld [smem:$0x3FFE];
	_ =	sdelay $0x1  }
0x8a: {  	s1 =	srdreg.scid  }
0x8b: {  	s0 =	sand.u32 $0x1, s1  }
0x8c: {  	s14 =	sshll.u32 s0, $0xA;
	s2 =	sadd.s32 s3, s2  }
0x8d: {  	s2 =	sadd.s32 s2, s14  }
0x8e: {  	[smem:$0x3FA0] =	sst s2  }
0x8f: {  	_ = 	snop  }
0x90: {  	s2 =	sld [smem:$0x3FD0];
	_ =	sdelay $0x2  }
0x91: {  	s15 =	simm.s32 $0xA;
	s4 =	simm.s32 $0x10  }
0x92: {  	[smem:s4], [sflag:s15] =	dma.local [hbm:s2], $0x1  }
0x93: {  	_ =	swait.eq [sflag:s15], $0x1  }
0x94: {  	[sflag:s15] =	ssyncset.done $0x0  }
0x95: {  	[sflag:s15] =	ssyncadd.s32 $0xFFFFFFFF  }
0x96: {  	s16 =	sld [smem:$0x10];
	(tm) =	ssettm $0x1  }
0x97: {  	s17 =	sld [smem:$0x3FFB];
	_ =	sdelay $0x3  }
0x98: {  	_ =	strace s17  }
0x99: {  	s3 =	sld [smem:$0x3FFC];
	_ =	sdelay $0x3  }
0x9a: {  	_ =	strace s3  }
0x9b: {  	s3 =	sld [smem:$0x3FFD];
	_ =	sdelay $0x3  }
0x9c: {  	_ =	strace s3  }
0x9d: {  	_ =	strace $0x8FFFFFFF  }
0x9e: {  	s18 =	sld [smem:$0x3FDB];
	_ =	sdelay $0x1  }
0x9f: {  	s19 =	simm.s32 $_scs_section_size  }
0xa0: {  	s5 =	simm.s32 $_size__tile_overlayer_lowered;
	s6 =	simm.s32 $_tile_overlayer_lowered  }
0xa1: {  	s22 =	simm.s32 $0x1BFF;
	s21 =	sshll.u32 s6, $0x1;
	s3 =	sadd.s32 s19, s18  }
0xa2: {  	s7 =	simm.s32 $0x0;
	s20 =	sshll.u32 s5, $0x1;
	s5 =	sadd.s32 s21, s3  }
0xa3: {  	[timem:s7], [sflag:s22] =	dma.local [hbm:s5], s20  }
0xa4: {  	_ =	swait.ge [sflag:s22], s20  }
0xa5: {  	s4 =	ssub.s32 $0x0, s20;
	[sflag:s22] =	ssyncset.done $0x0  }
0xa6: {  	[sflag:s22] =	ssyncadd.s32 s4;
	_ =	sdelay $0x1  }
0xa7: {  	s23 =	simm.s32 $0x1B8B  }
0xa8: {  	_ =	swait.ge [sflag:s23], $0x1  }
0xa9: {  	[sflag:s23] =	ssyncset.done $0x0  }
0xaa: {  	s25 =	simm.s32 $0x1B8E;
	s24 =	sld [smem:$0x3FFE];
	[sflag:s23] =	ssyncadd.s32 $0xFFFFFFFF  }
0xab: {  	s26 =	simm.s32 $execute0_lowered;
	[smem:$0x3FD2] =	sst s25  }
0xac: {  	s5 =	sshll.u32 s26, $0x1;
	_ =	strace $0x80000046;
	[dreg:$0x1] =	wrdreg $0xFFFFFFFF  }
0xad: {  	s28 =	simm.s32 $_size_execute0_lowered;
	s3 =	sadd.s32 s3, s5;
	[dreg:$0x0] =	wrdreg $0x0  }
0xae: {  	s5 =	sshll.u32 s28, $0x1;
	[dreg:$0x2] =	wrdreg s3  }
0xaf: {  	[dreg:$0x3] =	wrdreg s5  }
0xb0: {  	[dreg:$0x4] =	wrdreg $0xC0  }
0xb1: {  	_ =	task [dreg:s7], $0x5FFFF  }
0xb2: {  	[dreg:$0x1] =	wrdreg $0xFFFFFFFF  }
0xb3: {  	[dreg:$0x0] =	wrdreg $0x60  }
0xb4: {  	[dreg:$0x2] =	wrdreg s24  }
0xb5: {  	[dreg:$0x3] =	wrdreg s16  }
0xb6: {  	[dreg:$0x4] =	wrdreg $0x120000  }
0xb7: {  	[dreg:$0x5] =	wrdreg $0x9  }
0xb8: {  	_ =	task.clear_ibuf [dreg:s7], $0x6FFFF;
	_ =	strace $0x90000046  }
0xb9: {  	s29 =	simm.s32 $0x9;
	_ =	strace $0x80000048  }
0xba: {  	_ =	swait.ge [sflag:s29], $0x1  }
0xbb: {  	[sflag:s29] =	ssyncadd.s32 $0xFFFFFFFF  }
0xbc: {  	_ =	strace $0x90000048  }
0xbd: {  	_ =	sfence  }
0xbe: {  	s30 =	sld [smem:$0x0];
	_ =	sdelay $0x2  }
0xbf: {  	s31 =	sshll.u32 s1, $0xD;
	s1 =	sshrl.u32 s1, $0x2  }
0xc0: {  	s3 =	sand.u32 $0x4000, s31;
	s1 =	sadd.s32 s1, s30  }
0xc1: {  	s0 =	sor.u32 s3, s0;
	s1 =	sshll.u32 s1, $0x11  }
0xc2: {  	s0 =	sor.u32 s1, s0  }
0xc3: {  	s0 =	sadd.s32 $0x8F2B, s0  }
0xc4: {  	[sflag:s0] =	ssyncadd.remote.s32 $0x1  }
0xc5: {  	_ =	sfence.sel $0xFFFF  }
0xc6: {  	[dreg:$0x0] =	wrdreg $0xFFFFFFFF;
	(pc) =	sbr.abs _section_cstart, $3  }
0xc7: {  	[dreg:$0x1] =	wrdreg $0xFFFFFFFF  }
0xc8: {  	_ =	task.clear_ibuf [dreg:s7], $0x2FFFF;
	_ =	strace $0x9FFFFFFF  }
0xc9: {  	(tm) =	ssettm $0x7FFFFFFF  }
tec
execute0_lowered:
.L_overlay_start_1:
0x0: {  	(tag) =	ssettag $0x1  }
0x1: {  	s6 =	rddreg [dreg:$0x0]  }
0x2: {  	s8 =	rddreg [dreg:$0x1]  }
0x3: {  	s2 =	rddreg [dreg:$0x2];
	s3 =	simm.s32 $0x0;
	s1 =	stileid.u32  }
0x4: {  	s5 =	srdreg.scid;
	s28 =	simm.s32 $0x0;
	s9 =	smul.u32 $0xA00, s1  }
0x5: {  	[smem:$0x7FF] =	sst s3;
	s4 =	sadd.s32 $0x11800, s6;
	s12 =	smul.u32 $0x28000, s1  }
0x6: {  	s7 =	sand.u32 $0x1, s5;
	s5 =	sadd.s32 $0x38E00, s6;
	s14 =	smul.u32 $0xA000, s1  }
0x7: {  	s18 =	sadd.s32 $0x3A200, s6;
	s23 =	sshll.u32 s1, $0x6;
	s15 =	smul.u32 $0xA0000, s7  }
0x8: {  	_ =	strace $0x80000047;
	s11 =	ssub.s32 $0x2, s7;
	s25 =	smul.u32 $0x13B0, s7  }
0x9: {  	s7 =	sor.u32 $0x1C02, s23;
	s23 =	simm.s32 $0xA000;
	s10 =	sadd.s32 s9, s6  }
0xa: {  	s13 =	sshrl.u32 s11, $0x1;
	s22 =	sshrl.u32 s12, $0x2;
	s8 =	sadd.s32 s8, s9  }
0xb: {  	s26 =	sadd.s32 $0x2000, s14;
	s16 =	sadd.s32 $0x4000, s14;
	s17 =	sadd.s32 $0x6000, s14  }
0xc: {  	s20 =	sadd.s32 $0x8000, s14;
	s19 =	ssub.s32 s11, s13;
	s6 =	sadd.s32 s22, s2  }
0xd: {  	s24 =	sadd.s32 s14, s15;
	s9 =	sadd.s32 $0x7800, s10;
	s29 =	sadd.s32 s15, s26  }
0xe: {  	s13 =	sadd.s32 s16, s2;
	s16 =	sadd.s32 s15, s16;
	s31 =	sadd.s32 s15, s17  }
0xf: {  	s21 =	sadd.s32 s15, s20;
	s15 =	sadd.s32 s17, s2;
	s17 =	sadd.s32 s20, s2  }
0x10: {  	s20 =	simm.s32 $0x2;
	s22 =	simm.s32 $0x80;
	v0 =	vmov s25;
	s25 =	simm.s32 $0xE000  }
0x11: {  	s11 =	sshrl.u32 s24, $0x3;
	s30 =	sshrl.u32 s29, $0x3;
	s16 =	sshrl.u32 s16, $0x3  }
0x12: {  	s21 =	sshrl.u32 s21, $0x3;
	s19 =	smax.u32 s19, $0x1;
	s24 =	simm.s32 $0x1  }
0x13: {  	s10 =	sadd.s32 s18, s11;
	s11 =	sadd.s32 s26, s2;
	s12 =	sadd.s32 s18, s30  }
0x14: {  	s14 =	sadd.s32 s18, s16;
	s16 =	sshrl.u32 s31, $0x3;
	s26 =	simm.s32 $0x10000  }
0x15: {  	s16 =	sadd.s32 s18, s16;
	s18 =	sadd.s32 s18, s21;
	s21 =	simm.s32 $0x5000  }
.LBB2_1:
0x16: {  	s29 =	sshrl.u32 s6, $0x3  }
0x17: {  	[spmem:s29], [sflag:s7] =	dma.local [hbm:s5], $0x1400  }
0x18: {  	_ =	swait.ge [sflag:s20], $0x1400  }
0x19: {  	[sflag:s20] =	ssyncset.done $0x0  }
0x1a: {  	[sflag:s20] =	ssyncadd.s32 $0xFFFFEC00  }
0x1b: {  	[tilespmem:s3], [sflag:$0x2] =	stream.linear.gather [hbm4b:s8+s3], $0x4E80, $0x38;
	[tilespmem:$0x1C000] =	vst v63  }
0x1c: {  	_ =	swait.ge [sflag:s20], $0x4E80  }
0x1d: {  	[sflag:s20] =	ssyncset.done $0x0  }
0x1e: {  	[sflag:s20] =	ssyncadd.s32 $0xFFFFB180  }
0x1f: {  	[tilespmem:s21], [sflag:$0x2] =	stream.linear.gather [hbm4b:s9+s3], $0x4E80, $0x38;
	[tilespmem:$0x1C000] =	vst v63  }
0x20: {  	_ =	swait.ge [sflag:s20], $0x4E80  }
0x21: {  	[sflag:s20] =	ssyncset.done $0x0  }
0x22: {  	s29 =	simm.s32 $0x0;
	[sflag:s20] =	ssyncadd.s32 $0xFFFFB180  }
0x23: {  	v2 =	vld [tilespmem:s29+$0x5000]  }
0x24: {  	v3 =	vld [tilespmem:s29+$0x5010]  }
0x25: {  	v5 =	vld [tilespmem:s29+$0x5020]  }
0x26: {  	v4 =	vld [tilespmem:s29+$0x5030]  }
0x27: {  	v1 =	vld [tilespmem:s29+$0x5040]  }
0x28: {  	v6 =	vsub.s32 v2, v0;
	v2 =	vld [tilespmem:s29+$0x5050]  }
0x29: {  	s30 =	simm.s32 $0x200;
	v7 =	vsub.s32 v3, v0;
	v3 =	vld [tilespmem:s29+$0x5060];
	v6 =	vmin.u32 v6, $0x13B0  }
.LBB2_2:
0x2a: {  	s31 =	sshra.s32 s30, $0x2;
	p0 =	sne.s32 s30, $0x13800;
	[tilespmem:s29+$0x5000] =	vst v6;
	v6 =	vmin.u32 v7, $0x13B0;
	v5 =	vsub.s32 v5, v0;
	v7 =	vld [tilespmem:s29+$0x5070]  }
0x2b: {  	v8 =	vld [tilespmem:s31+$0x5000];
	[tilespmem:s29+$0x5010] =	vst v6;
	v5 =	vmin.u32 v5, $0x13B0;
	v4 =	vsub.s32 v4, v0  }
0x2c: {  	v9 =	vld [tilespmem:s31+$0x5010];
	[tilespmem:s29+$0x5020] =	vst v5;
	v4 =	vmin.u32 v4, $0x13B0;
	v1 =	vsub.s32 v1, v0  }
.Ltmp0:
0x2d: {  	v5 =	vld [tilespmem:s31+$0x5020];
	[tilespmem:s29+$0x5030] =	vst v4;
	v1 =	vmin.u32 v1, $0x13B0;
	v2 =	vsub.s32 v2, v0;
	(pc) =	sbr.rel @p0 .LBB2_2-.Ltmp0, $4  }
0x2e: {  	v4 =	vld [tilespmem:s31+$0x5030];
	[tilespmem:s29+$0x5040] =	vst v1;
	v2 =	vmin.u32 v2, $0x13B0;
	v3 =	vsub.s32 v3, v0  }
0x2f: {  	v1 =	vld [tilespmem:s31+$0x5040];
	[tilespmem:s29+$0x5050] =	vst v2;
	v3 =	vmin.u32 v3, $0x13B0;
	v6 =	vsub.s32 v7, v0  }
0x30: {  	v7 =	vsub.s32 v8, v0;
	v2 =	vld [tilespmem:s31+$0x5050];
	[tilespmem:s29+$0x5060] =	vst v3;
	v8 =	vmin.u32 v6, $0x13B0  }
0x31: {  	s30 =	sadd.s32 $0x200, s30;
	v6 =	vmin.u32 v7, $0x13B0;
	v7 =	vsub.s32 v9, v0;
	v3 =	vld [tilespmem:s31+$0x5060];
	[tilespmem:s29+$0x5070] =	vst v8;
	s29 =	smov.u32 s31  }
0x32: {  	[tilespmem:s29+$0x5000] =	vst v6;
	v62 =	vmin.u32 v7, $0x13B0;
	v5 =	vsub.s32 v5, v0;
	v63 =	vld [tilespmem:s29+$0x5070]  }
0x33: {  	[tilespmem:s29+$0x5010] =	vst v62;
	v5 =	vmin.u32 v5, $0x13B0;
	v4 =	vsub.s32 v4, v0  }
0x34: {  	[tilespmem:s29+$0x5020] =	vst v5;
	v4 =	vmin.u32 v4, $0x13B0;
	v1 =	vsub.s32 v1, v0  }
0x35: {  	[tilespmem:s29+$0x5030] =	vst v4;
	v1 =	vmin.u32 v1, $0x13B0;
	v2 =	vsub.s32 v2, v0  }
0x36: {  	[tilespmem:s29+$0x5040] =	vst v1;
	v1 =	vmin.u32 v2, $0x13B0;
	v2 =	vsub.s32 v3, v0  }
0x37: {  	[tilespmem:s29+$0x5050] =	vst v1;
	v1 =	vmin.u32 v2, $0x13B0;
	v2 =	vsub.s32 v63, v0  }
0x38: {  	[tilespmem:s29+$0x5060] =	vst v1;
	v1 =	vmin.u32 v2, $0x13B0  }
0x39: {  	[tilespmem:s29+$0x5070] =	vst v1  }
0x3a: {  	s29 =	simm.s32 $0x0;
	[bflag:$0x0] =	sbarrier.arrive $0xFFFF  }
0x3b: {  	[tilespmem:s23], [sflag:$0x1] =	stream.indirect.gather [hbm4b:s4+s22], $0x80, s29, s22, $0xb8;
	[tilespmem:$0x1C000] =	vst v63  }
0x3c: {  	_ =	swait.ge [sflag:s24], $0x4000  }
0x3d: {  	[sflag:s24] =	ssyncset.done $0x0  }
0x3e: {  	s29 =	simm.s32 $0x5000;
	[sflag:s24] =	ssyncadd.s32 $0xFFFFC000  }
0x3f: {  	[spmem:s2] =	stream.indirect.scatter.add.f32 [tilespmem:s23], [sflag:$0x2], $0x80, s29, s22, $0xb8;
	[tilespmem:$0x1C000] =	vst v63  }
0x40: {  	_ =	swait.ge [sflag:s20], $0x4000  }
0x41: {  	s30 =	simm.s32 $0x400;
	s29 =	simm.s32 $0x200;
	[sflag:s20] =	ssyncset.done $0x0  }
.LBB2_4:
0x42: {  	s31 =	sshra.s32 s29, $0x2  }
0x43: {  	[sflag:s20] =	ssyncadd.s32 $0xFFFFC000;
	s29 =	smov.u32 s30;
	s0 =	sadd.s32 $0x200, s30  }
0x44: {  	[tilespmem:s23], [sflag:$0x1] =	stream.indirect.gather [hbm4b:s4+s22], $0x80, s31, s22, $0xb8;
	[tilespmem:$0x1C000] =	vst v63  }
0x45: {  	p0 =	sne.s32 s30, $0x13800;
	_ =	swait.ge [sflag:s24], $0x4000  }
.Ltmp1:
0x46: {  	[sflag:s24] =	ssyncset.done $0x0;
	(pc) =	sbr.rel @p0 .LBB2_4-.Ltmp1, $4  }
0x47: {  	s30 =	sadd.s32 $0x5000, s31;
	[sflag:s24] =	ssyncadd.s32 $0xFFFFC000  }
0x48: {  	[spmem:s2] =	stream.indirect.scatter.add.f32 [tilespmem:s23], [sflag:$0x2], $0x80, s30, s22, $0xb8;
	[tilespmem:$0x1C000] =	vst v63  }
0x49: {  	_ =	swait.ge [sflag:s20], $0x4000  }
0x4a: {  	s30 =	smov.u32 s0;
	[sflag:s20] =	ssyncset.done $0x0  }
0x4b: {  	s0 =	sshra.s32 s29, $0x2;
	[sflag:s20] =	ssyncadd.s32 $0xFFFFC000  }
0x4c: {  	[tilespmem:s23], [sflag:$0x1] =	stream.indirect.gather [hbm4b:s4+s22], $0x80, s0, s22, $0xb8;
	[tilespmem:$0x1C000] =	vst v63  }
0x4d: {  	_ =	swait.ge [sflag:s24], $0x4000  }
0x4e: {  	[sflag:s24] =	ssyncset.done $0x0  }
0x4f: {  	s0 =	sadd.s32 $0x5000, s0;
	[sflag:s24] =	ssyncadd.s32 $0xFFFFC000  }
0x50: {  	[spmem:s2] =	stream.indirect.scatter.add.f32 [tilespmem:s23], [sflag:$0x2], $0x80, s0, s22, $0xb8;
	[tilespmem:$0x1C000] =	vst v63  }
0x51: {  	_ =	swait.ge [sflag:s20], $0x4000  }
0x52: {  	[sflag:s20] =	ssyncset.done $0x0  }
0x53: {  	[sflag:s20] =	ssyncadd.s32 $0xFFFFC000  }
0x54: {  	[bflag:$0x0] =	sbarrier.arrive $0xFFFF  }
0x55: {  	[tilespmem:s25], [sflag:$0x2] =	stream.linear.gather [spmem:s6], $0x2000, $0x38;
	[tilespmem:$0x1C000] =	vst v63  }
0x56: {  	_ =	swait.ge [sflag:s20], $0x2000  }
0x57: {  	[sflag:s20] =	ssyncset.done $0x0  }
0x58: {  	s29 =	simm.s32 $0x0;
	[sflag:s20] =	ssyncadd.s32 $0xFFFFE000  }
0x59: {  	v1 =	vld [tilespmem:s29+$0xE060]  }
0x5a: {  	v2 =	vld [tilespmem:s29+$0xE070]  }
0x5b: {  	v3 =	vld [tilespmem:s29+$0xE000]  }
0x5c: {  	v4 =	vld [tilespmem:s29+$0xE010]  }
0x5d: {  	v6 =	vld [tilespmem:s29+$0xE030]  }
0x5e: {  	v7 =	vld [tilespmem:s29+$0xE040];
	_ =	sdelay $0x2  }
0x5f: {  	v5 =	vld [tilespmem:s29+$0xE020];
	v8 =	vshrl.u32 v1, $0x10;
	v9 =	vshrl.u32 v2, $0x10  }
0x60: {  	v11 =	vld [tilespmem:s29+$0xE050];
	v10 =	vshrl.u32 v3, $0x10;
	v12 =	vshrl.u32 v4, $0x10;
	v63 =	vshrl.u32 v6, $0x10  }
0x61: {  	v13 =	vshrl.u32 v7, $0x10;
	v8 =	vand.u32 $0x1, v8;
	v9 =	vand.u32 $0x1, v9  }
0x62: {  	v10 =	vand.u32 $0x1, v10;
	v1 =	vadd.s32 v8, v1;
	v2 =	vadd.s32 v9, v2  }
0x63: {  	v12 =	vand.u32 $0x1, v12;
	v1 =	vadd.s32 $0x7FFF, v1;
	v2 =	vadd.s32 $0x7FFF, v2  }
0x64: {  	v13 =	vand.u32 $0x1, v13;
	v1 =	vshrl.u32 v1, $0x10;
	v2 =	vand.u32 $0xFFFF0000, v2  }
0x65: {  	v8 =	vshrl.u32 v5, $0x10;
	v1 =	vor.u32 v1, v2;
	v2 =	vshrl.u32 v11, $0x10  }
0x66: {  	v9 =	vand.u32 $0x1, v63;
	v8 =	vand.u32 $0x1, v8;
	v14 =	vand.u32 $0x1, v2  }
0x67: {  	s30 =	simm.s32 $0x80;
	[tilespmem:s29+$0x10030] =	vst v1;
	v2 =	vadd.s32 v10, v3;
	v3 =	vadd.s32 v12, v4;
	v4 =	vadd.s32 v8, v5  }
0x68: {  	s31 =	simm.s32 $0x400;
	v5 =	vadd.s32 v9, v6;
	v6 =	vadd.s32 v13, v7;
	v1 =	vld [tilespmem:s30+$0xE060];
	v7 =	vadd.s32 v14, v11  }
.LBB2_6:
0x69: {  	p0 =	sne.s32 s31, $0x7E00;
	v8 =	vld [tilespmem:s30+$0xE070];
	v2 =	vadd.s32 $0x7FFF, v2;
	v3 =	vadd.s32 $0x7FFF, v3;
	v4 =	vadd.s32 $0x7FFF, v4  }
0x6a: {  	v5 =	vadd.s32 $0x7FFF, v5;
	v6 =	vadd.s32 $0x7FFF, v6;
	v7 =	vadd.s32 $0x7FFF, v7;
	v9 =	vld [tilespmem:s30+$0xE000]  }
0x6b: {  	v2 =	vshrl.u32 v2, $0x10;
	v3 =	vand.u32 $0xFFFF0000, v3;
	v4 =	vshrl.u32 v4, $0x10;
	v10 =	vld [tilespmem:s30+$0xE010]  }
0x6c: {  	v5 =	vand.u32 $0xFFFF0000, v5;
	v6 =	vshrl.u32 v6, $0x10;
	v7 =	vand.u32 $0xFFFF0000, v7;
	v11 =	vld [tilespmem:s30+$0xE020]  }
0x6d: {  	v2 =	vor.u32 v2, v3;
	v3 =	vor.u32 v4, v5;
	v4 =	vor.u32 v6, v7;
	v12 =	vld [tilespmem:s30+$0xE030]  }
0x6e: {  	v5 =	vshrl.u32 v1, $0x10;
	v6 =	vld [tilespmem:s30+$0xE040];
	v7 =	vshrl.u32 v8, $0x10;
	[tilespmem:s29+$0x10000] =	vst v2  }
0x6f: {  	v5 =	vand.u32 $0x1, v5;
	v2 =	vshrl.u32 v9, $0x10;
	v13 =	vld [tilespmem:s30+$0xE050];
	v7 =	vand.u32 $0x1, v7;
	[tilespmem:s29+$0x10010] =	vst v3  }
0x70: {  	v1 =	vadd.s32 v5, v1;
	v3 =	vshrl.u32 v10, $0x10;
	v5 =	vadd.s32 v7, v8;
	[tilespmem:s29+$0x10020] =	vst v4;
	s29 =	smov.u32 s30  }
0x71: {  	v1 =	vadd.s32 $0x7FFF, v1;
	v4 =	vshrl.u32 v11, $0x10;
	v5 =	vadd.s32 $0x7FFF, v5  }
0x72: {  	v1 =	vshrl.u32 v1, $0x10;
	v7 =	vshrl.u32 v12, $0x10;
	v5 =	vand.u32 $0xFFFF0000, v5  }
.Ltmp2:
0x73: {  	v2 =	vand.u32 $0x1, v2;
	v8 =	vshrl.u32 v6, $0x10;
	v1 =	vor.u32 v1, v5;
	(pc) =	sbr.rel @p0 .LBB2_6-.Ltmp2, $4  }
0x74: {  	v3 =	vand.u32 $0x1, v3;
	v4 =	vand.u32 $0x1, v4;
	v5 =	vshrl.u32 v13, $0x10;
	[tilespmem:s29+$0x10030] =	vst v1  }
0x75: {  	v7 =	vand.u32 $0x1, v7;
	v8 =	vand.u32 $0x1, v8;
	v14 =	vand.u32 $0x1, v5  }
0x76: {  	s30 =	sshra.s32 s31, $0x2;
	v2 =	vadd.s32 v2, v9;
	v3 =	vadd.s32 v3, v10;
	v4 =	vadd.s32 v4, v11  }
0x77: {  	s31 =	sadd.s32 $0x200, s31;
	v5 =	vadd.s32 v7, v12;
	v6 =	vadd.s32 v8, v6;
	v7 =	vadd.s32 v14, v13;
	v1 =	vld [tilespmem:s30+$0xE060]  }
0x78: {  	v8 =	vld [tilespmem:s30+$0xE070];
	v2 =	vadd.s32 $0x7FFF, v2;
	v3 =	vadd.s32 $0x7FFF, v3  }
0x79: {  	v4 =	vadd.s32 $0x7FFF, v4;
	v9 =	vld [tilespmem:s30+$0xE000];
	v5 =	vadd.s32 $0x7FFF, v5;
	v6 =	vadd.s32 $0x7FFF, v6  }
0x7a: {  	v7 =	vadd.s32 $0x7FFF, v7;
	v10 =	vld [tilespmem:s30+$0xE010];
	v2 =	vshrl.u32 v2, $0x10;
	v3 =	vand.u32 $0xFFFF0000, v3  }
0x7b: {  	v11 =	vld [tilespmem:s30+$0xE020];
	v4 =	vshrl.u32 v4, $0x10;
	v5 =	vand.u32 $0xFFFF0000, v5;
	v6 =	vshrl.u32 v6, $0x10  }
0x7c: {  	v7 =	vand.u32 $0xFFFF0000, v7;
	v2 =	vor.u32 v2, v3;
	v3 =	vor.u32 v4, v5;
	v4 =	vld [tilespmem:s30+$0xE040]  }
0x7d: {  	v6 =	vor.u32 v6, v7;
	v5 =	vshrl.u32 v1, $0x10  }
0x7e: {  	v12 =	vld [tilespmem:s30+$0xE030];
	[tilespmem:s29+$0x10000] =	vst v2;
	v13 =	vshrl.u32 v8, $0x10;
	v2 =	vand.u32 $0x1, v5;
	v7 =	vshrl.u32 v9, $0x10  }
0x7f: {  	v54 =	vld [tilespmem:s30+$0xE050];
	v5 =	vand.u32 $0x1, v13;
	v1 =	vadd.s32 v2, v1;
	v7 =	vand.u32 $0x1, v7  }
0x80: {  	v2 =	vadd.s32 v5, v8;
	v5 =	vshrl.u32 v10, $0x10;
	v1 =	vadd.s32 $0x7FFF, v1  }
0x81: {  	v8 =	vshrl.u32 v11, $0x10;
	v7 =	vadd.s32 v7, v9;
	v55 =	vshrl.u32 v4, $0x10  }
0x82: {  	v2 =	vadd.s32 $0x7FFF, v2;
	v1 =	vshrl.u32 v1, $0x10;
	v5 =	vand.u32 $0x1, v5  }
0x83: {  	v8 =	vand.u32 $0x1, v8;
	v9 =	vand.u32 $0x1, v55;
	v7 =	vadd.s32 $0x7FFF, v7  }
0x84: {  	v2 =	vand.u32 $0xFFFF0000, v2;
	v5 =	vadd.s32 v5, v10;
	v56 =	vshrl.u32 v54, $0x10  }
0x85: {  	v8 =	vadd.s32 v8, v11;
	v4 =	vadd.s32 v9, v4;
	v7 =	vshrl.u32 v7, $0x10  }
0x86: {  	v1 =	vor.u32 v1, v2;
	v2 =	vshrl.u32 v12, $0x10;
	v10 =	vand.u32 $0x1, v56  }
0x87: {  	[tilespmem:s29+$0x10010] =	vst v3;
	v5 =	vadd.s32 $0x7FFF, v5;
	v3 =	vadd.s32 $0x7FFF, v8;
	v2 =	vand.u32 $0x1, v2  }
0x88: {  	[tilespmem:s29+$0x10020] =	vst v6;
	v4 =	vadd.s32 $0x7FFF, v4;
	v57 =	vadd.s32 v10, v54;
	v2 =	vadd.s32 v2, v12  }
0x89: {  	v5 =	vand.u32 $0xFFFF0000, v5;
	[tilespmem:s30+$0x10030] =	vst v1;
	v1 =	vshrl.u32 v3, $0x10;
	v2 =	vadd.s32 $0x7FFF, v2  }
0x8a: {  	v6 =	vadd.s32 $0x7FFF, v57;
	v3 =	vor.u32 v7, v5;
	v2 =	vand.u32 $0xFFFF0000, v2  }
0x8b: {  	v4 =	vshrl.u32 v4, $0x10;
	v5 =	vand.u32 $0xFFFF0000, v6;
	[tilespmem:s30+$0x10000] =	vst v3;
	v1 =	vor.u32 v1, v2  }
0x8c: {  	v2 =	vor.u32 v4, v5;
	[tilespmem:s30+$0x10010] =	vst v1  }
0x8d: {  	s0 =	simm.s32 $0x0;
	[tilespmem:s30+$0x10020] =	vst v2  }
0x8e: {  	[hbm4b:s10+s0] =	stream.linear.scatter [tilespmem:s26], [sflag:$0x2], $0x2000, $0x38;
	[tilespmem:$0x1C000] =	vst v63  }
0x8f: {  	_ =	swait.ge [sflag:s20], $0x2000  }
0x90: {  	[sflag:s20] =	ssyncset.done $0x0  }
0x91: {  	[sflag:s20] =	ssyncadd.s32 $0xFFFFE000  }
0x92: {  	[tilespmem:s25], [sflag:$0x2] =	stream.linear.gather [spmem:s11], $0x2000, $0x38;
	[tilespmem:$0x1C000] =	vst v63  }
0x93: {  	_ =	swait.ge [sflag:s20], $0x2000  }
0x94: {  	[sflag:s20] =	ssyncset.done $0x0  }
0x95: {  	s29 =	simm.s32 $0x0;
	[sflag:s20] =	ssyncadd.s32 $0xFFFFE000  }
0x96: {  	v1 =	vld [tilespmem:s29+$0xE060]  }
0x97: {  	v2 =	vld [tilespmem:s29+$0xE070]  }
0x98: {  	v3 =	vld [tilespmem:s29+$0xE000]  }
0x99: {  	v4 =	vld [tilespmem:s29+$0xE010]  }
0x9a: {  	v6 =	vld [tilespmem:s29+$0xE030]  }
0x9b: {  	v7 =	vld [tilespmem:s29+$0xE040];
	_ =	sdelay $0x2  }
0x9c: {  	v5 =	vld [tilespmem:s29+$0xE020];
	v8 =	vshrl.u32 v1, $0x10;
	v58 =	vshrl.u32 v2, $0x10  }
0x9d: {  	v60 =	vld [tilespmem:s29+$0xE050];
	v59 =	vshrl.u32 v3, $0x10;
	v61 =	vshrl.u32 v4, $0x10;
	v62 =	vshrl.u32 v6, $0x10  }
0x9e: {  	v63 =	vshrl.u32 v7, $0x10;
	v8 =	vand.u32 $0x1, v8;
	v9 =	vand.u32 $0x1, v58  }
0x9f: {  	v10 =	vand.u32 $0x1, v59;
	v1 =	vadd.s32 v8, v1;
	v2 =	vadd.s32 v9, v2  }
0xa0: {  	v12 =	vand.u32 $0x1, v61;
	v1 =	vadd.s32 $0x7FFF, v1;
	v2 =	vadd.s32 $0x7FFF, v2  }
0xa1: {  	v13 =	vand.u32 $0x1, v63;
	v1 =	vshrl.u32 v1, $0x10;
	v2 =	vand.u32 $0xFFFF0000, v2  }
0xa2: {  	v8 =	vshrl.u32 v5, $0x10;
	v1 =	vor.u32 v1, v2;
	v2 =	vshrl.u32 v60, $0x10  }
0xa3: {  	v9 =	vand.u32 $0x1, v62;
	v8 =	vand.u32 $0x1, v8;
	v14 =	vand.u32 $0x1, v2  }
0xa4: {  	s30 =	simm.s32 $0x80;
	[tilespmem:s29+$0x10030] =	vst v1;
	v2 =	vadd.s32 v10, v3;
	v3 =	vadd.s32 v12, v4;
	v4 =	vadd.s32 v8, v5  }
0xa5: {  	s31 =	simm.s32 $0x400;
	v5 =	vadd.s32 v9, v6;
	v6 =	vadd.s32 v13, v7;
	v1 =	vld [tilespmem:s30+$0xE060];
	v7 =	vadd.s32 v14, v60  }
.LBB2_8:
0xa6: {  	p0 =	sne.s32 s31, $0x7E00;
	v8 =	vld [tilespmem:s30+$0xE070];
	v2 =	vadd.s32 $0x7FFF, v2;
	v3 =	vadd.s32 $0x7FFF, v3;
	v4 =	vadd.s32 $0x7FFF, v4  }
0xa7: {  	v5 =	vadd.s32 $0x7FFF, v5;
	v6 =	vadd.s32 $0x7FFF, v6;
	v7 =	vadd.s32 $0x7FFF, v7;
	v9 =	vld [tilespmem:s30+$0xE000]  }
0xa8: {  	v2 =	vshrl.u32 v2, $0x10;
	v3 =	vand.u32 $0xFFFF0000, v3;
	v4 =	vshrl.u32 v4, $0x10;
	v10 =	vld [tilespmem:s30+$0xE010]  }
0xa9: {  	v5 =	vand.u32 $0xFFFF0000, v5;
	v6 =	vshrl.u32 v6, $0x10;
	v7 =	vand.u32 $0xFFFF0000, v7;
	v11 =	vld [tilespmem:s30+$0xE020]  }
0xaa: {  	v2 =	vor.u32 v2, v3;
	v3 =	vor.u32 v4, v5;
	v4 =	vor.u32 v6, v7;
	v12 =	vld [tilespmem:s30+$0xE030]  }
0xab: {  	v5 =	vshrl.u32 v1, $0x10;
	v6 =	vld [tilespmem:s30+$0xE040];
	v7 =	vshrl.u32 v8, $0x10;
	[tilespmem:s29+$0x10000] =	vst v2  }
0xac: {  	v5 =	vand.u32 $0x1, v5;
	v2 =	vshrl.u32 v9, $0x10;
	v13 =	vld [tilespmem:s30+$0xE050];
	v7 =	vand.u32 $0x1, v7;
	[tilespmem:s29+$0x10010] =	vst v3  }
0xad: {  	v1 =	vadd.s32 v5, v1;
	v3 =	vshrl.u32 v10, $0x10;
	v5 =	vadd.s32 v7, v8;
	[tilespmem:s29+$0x10020] =	vst v4;
	s29 =	smov.u32 s30  }
0xae: {  	v1 =	vadd.s32 $0x7FFF, v1;
	v4 =	vshrl.u32 v11, $0x10;
	v5 =	vadd.s32 $0x7FFF, v5  }
0xaf: {  	v1 =	vshrl.u32 v1, $0x10;
	v7 =	vshrl.u32 v12, $0x10;
	v5 =	vand.u32 $0xFFFF0000, v5  }
.Ltmp3:
0xb0: {  	v2 =	vand.u32 $0x1, v2;
	v8 =	vshrl.u32 v6, $0x10;
	v1 =	vor.u32 v1, v5;
	(pc) =	sbr.rel @p0 .LBB2_8-.Ltmp3, $4  }
0xb1: {  	v3 =	vand.u32 $0x1, v3;
	v4 =	vand.u32 $0x1, v4;
	v5 =	vshrl.u32 v13, $0x10;
	[tilespmem:s29+$0x10030] =	vst v1  }
0xb2: {  	v7 =	vand.u32 $0x1, v7;
	v8 =	vand.u32 $0x1, v8;
	v14 =	vand.u32 $0x1, v5  }
0xb3: {  	s30 =	sshra.s32 s31, $0x2;
	v2 =	vadd.s32 v2, v9;
	v3 =	vadd.s32 v3, v10;
	v4 =	vadd.s32 v4, v11  }
0xb4: {  	s31 =	sadd.s32 $0x200, s31;
	v5 =	vadd.s32 v7, v12;
	v6 =	vadd.s32 v8, v6;
	v7 =	vadd.s32 v14, v13;
	v1 =	vld [tilespmem:s30+$0xE060]  }
0xb5: {  	v8 =	vld [tilespmem:s30+$0xE070];
	v2 =	vadd.s32 $0x7FFF, v2;
	v3 =	vadd.s32 $0x7FFF, v3  }
0xb6: {  	v4 =	vadd.s32 $0x7FFF, v4;
	v9 =	vld [tilespmem:s30+$0xE000];
	v5 =	vadd.s32 $0x7FFF, v5;
	v6 =	vadd.s32 $0x7FFF, v6  }
0xb7: {  	v7 =	vadd.s32 $0x7FFF, v7;
	v10 =	vld [tilespmem:s30+$0xE010];
	v2 =	vshrl.u32 v2, $0x10;
	v3 =	vand.u32 $0xFFFF0000, v3  }
0xb8: {  	v11 =	vld [tilespmem:s30+$0xE020];
	v4 =	vshrl.u32 v4, $0x10;
	v5 =	vand.u32 $0xFFFF0000, v5;
	v6 =	vshrl.u32 v6, $0x10  }
0xb9: {  	v7 =	vand.u32 $0xFFFF0000, v7;
	v2 =	vor.u32 v2, v3;
	v3 =	vor.u32 v4, v5;
	v4 =	vld [tilespmem:s30+$0xE040]  }
0xba: {  	v6 =	vor.u32 v6, v7;
	v5 =	vshrl.u32 v1, $0x10  }
0xbb: {  	v12 =	vld [tilespmem:s30+$0xE030];
	[tilespmem:s29+$0x10000] =	vst v2;
	v13 =	vshrl.u32 v8, $0x10;
	v2 =	vand.u32 $0x1, v5;
	v7 =	vshrl.u32 v9, $0x10  }
0xbc: {  	v54 =	vld [tilespmem:s30+$0xE050];
	v5 =	vand.u32 $0x1, v13;
	v1 =	vadd.s32 v2, v1;
	v7 =	vand.u32 $0x1, v7  }
0xbd: {  	v2 =	vadd.s32 v5, v8;
	v5 =	vshrl.u32 v10, $0x10;
	v1 =	vadd.s32 $0x7FFF, v1  }
0xbe: {  	v8 =	vshrl.u32 v11, $0x10;
	v7 =	vadd.s32 v7, v9;
	v55 =	vshrl.u32 v4, $0x10  }
0xbf: {  	v2 =	vadd.s32 $0x7FFF, v2;
	v1 =	vshrl.u32 v1, $0x10;
	v5 =	vand.u32 $0x1, v5  }
0xc0: {  	v8 =	vand.u32 $0x1, v8;
	v9 =	vand.u32 $0x1, v55;
	v7 =	vadd.s32 $0x7FFF, v7  }
0xc1: {  	v2 =	vand.u32 $0xFFFF0000, v2;
	v5 =	vadd.s32 v5, v10;
	v56 =	vshrl.u32 v54, $0x10  }
0xc2: {  	v8 =	vadd.s32 v8, v11;
	v4 =	vadd.s32 v9, v4;
	v7 =	vshrl.u32 v7, $0x10  }
0xc3: {  	v1 =	vor.u32 v1, v2;
	v2 =	vshrl.u32 v12, $0x10;
	v10 =	vand.u32 $0x1, v56  }
0xc4: {  	[tilespmem:s29+$0x10010] =	vst v3;
	v5 =	vadd.s32 $0x7FFF, v5;
	v3 =	vadd.s32 $0x7FFF, v8;
	v2 =	vand.u32 $0x1, v2  }
0xc5: {  	[tilespmem:s29+$0x10020] =	vst v6;
	v4 =	vadd.s32 $0x7FFF, v4;
	v57 =	vadd.s32 v10, v54;
	v2 =	vadd.s32 v2, v12  }
0xc6: {  	v5 =	vand.u32 $0xFFFF0000, v5;
	[tilespmem:s30+$0x10030] =	vst v1;
	v1 =	vshrl.u32 v3, $0x10;
	v2 =	vadd.s32 $0x7FFF, v2  }
0xc7: {  	v6 =	vadd.s32 $0x7FFF, v57;
	v3 =	vor.u32 v7, v5;
	v2 =	vand.u32 $0xFFFF0000, v2  }
0xc8: {  	v4 =	vshrl.u32 v4, $0x10;
	v5 =	vand.u32 $0xFFFF0000, v6;
	[tilespmem:s30+$0x10000] =	vst v3;
	v1 =	vor.u32 v1, v2  }
0xc9: {  	v2 =	vor.u32 v4, v5;
	[tilespmem:s30+$0x10010] =	vst v1  }
0xca: {  	s0 =	simm.s32 $0x0;
	[tilespmem:s30+$0x10020] =	vst v2  }
0xcb: {  	[hbm4b:s12+s0] =	stream.linear.scatter [tilespmem:s26], [sflag:$0x2], $0x2000, $0x38;
	[tilespmem:$0x1C000] =	vst v63  }
0xcc: {  	_ =	swait.ge [sflag:s20], $0x2000  }
0xcd: {  	[sflag:s20] =	ssyncset.done $0x0  }
0xce: {  	[sflag:s20] =	ssyncadd.s32 $0xFFFFE000  }
0xcf: {  	[tilespmem:s25], [sflag:$0x2] =	stream.linear.gather [spmem:s13], $0x2000, $0x38;
	[tilespmem:$0x1C000] =	vst v63  }
0xd0: {  	_ =	swait.ge [sflag:s20], $0x2000  }
0xd1: {  	[sflag:s20] =	ssyncset.done $0x0  }
0xd2: {  	s29 =	simm.s32 $0x0;
	[sflag:s20] =	ssyncadd.s32 $0xFFFFE000  }
0xd3: {  	v1 =	vld [tilespmem:s29+$0xE060]  }
0xd4: {  	v2 =	vld [tilespmem:s29+$0xE070]  }
0xd5: {  	v3 =	vld [tilespmem:s29+$0xE000]  }
0xd6: {  	v4 =	vld [tilespmem:s29+$0xE010]  }
0xd7: {  	v6 =	vld [tilespmem:s29+$0xE030]  }
0xd8: {  	v7 =	vld [tilespmem:s29+$0xE040];
	_ =	sdelay $0x2  }
0xd9: {  	v5 =	vld [tilespmem:s29+$0xE020];
	v8 =	vshrl.u32 v1, $0x10;
	v58 =	vshrl.u32 v2, $0x10  }
0xda: {  	v60 =	vld [tilespmem:s29+$0xE050];
	v59 =	vshrl.u32 v3, $0x10;
	v61 =	vshrl.u32 v4, $0x10;
	v62 =	vshrl.u32 v6, $0x10  }
0xdb: {  	v63 =	vshrl.u32 v7, $0x10;
	v8 =	vand.u32 $0x1, v8;
	v9 =	vand.u32 $0x1, v58  }
0xdc: {  	v10 =	vand.u32 $0x1, v59;
	v1 =	vadd.s32 v8, v1;
	v2 =	vadd.s32 v9, v2  }
0xdd: {  	v12 =	vand.u32 $0x1, v61;
	v1 =	vadd.s32 $0x7FFF, v1;
	v2 =	vadd.s32 $0x7FFF, v2  }
0xde: {  	v13 =	vand.u32 $0x1, v63;
	v1 =	vshrl.u32 v1, $0x10;
	v2 =	vand.u32 $0xFFFF0000, v2  }
0xdf: {  	v8 =	vshrl.u32 v5, $0x10;
	v1 =	vor.u32 v1, v2;
	v2 =	vshrl.u32 v60, $0x10  }
0xe0: {  	v9 =	vand.u32 $0x1, v62;
	v8 =	vand.u32 $0x1, v8;
	v14 =	vand.u32 $0x1, v2  }
0xe1: {  	s30 =	simm.s32 $0x80;
	[tilespmem:s29+$0x10030] =	vst v1;
	v2 =	vadd.s32 v10, v3;
	v3 =	vadd.s32 v12, v4;
	v4 =	vadd.s32 v8, v5  }
0xe2: {  	s31 =	simm.s32 $0x400;
	v5 =	vadd.s32 v9, v6;
	v6 =	vadd.s32 v13, v7;
	v1 =	vld [tilespmem:s30+$0xE060];
	v7 =	vadd.s32 v14, v60  }
.LBB2_10:
0xe3: {  	p0 =	sne.s32 s31, $0x7E00;
	v8 =	vld [tilespmem:s30+$0xE070];
	v2 =	vadd.s32 $0x7FFF, v2;
	v3 =	vadd.s32 $0x7FFF, v3;
	v4 =	vadd.s32 $0x7FFF, v4  }
0xe4: {  	v5 =	vadd.s32 $0x7FFF, v5;
	v6 =	vadd.s32 $0x7FFF, v6;
	v7 =	vadd.s32 $0x7FFF, v7;
	v9 =	vld [tilespmem:s30+$0xE000]  }
0xe5: {  	v2 =	vshrl.u32 v2, $0x10;
	v3 =	vand.u32 $0xFFFF0000, v3;
	v4 =	vshrl.u32 v4, $0x10;
	v10 =	vld [tilespmem:s30+$0xE010]  }
0xe6: {  	v5 =	vand.u32 $0xFFFF0000, v5;
	v6 =	vshrl.u32 v6, $0x10;
	v7 =	vand.u32 $0xFFFF0000, v7;
	v11 =	vld [tilespmem:s30+$0xE020]  }
0xe7: {  	v2 =	vor.u32 v2, v3;
	v3 =	vor.u32 v4, v5;
	v4 =	vor.u32 v6, v7;
	v12 =	vld [tilespmem:s30+$0xE030]  }
0xe8: {  	v5 =	vshrl.u32 v1, $0x10;
	v6 =	vld [tilespmem:s30+$0xE040];
	v7 =	vshrl.u32 v8, $0x10;
	[tilespmem:s29+$0x10000] =	vst v2  }
0xe9: {  	v5 =	vand.u32 $0x1, v5;
	v2 =	vshrl.u32 v9, $0x10;
	v13 =	vld [tilespmem:s30+$0xE050];
	v7 =	vand.u32 $0x1, v7;
	[tilespmem:s29+$0x10010] =	vst v3  }
0xea: {  	v1 =	vadd.s32 v5, v1;
	v3 =	vshrl.u32 v10, $0x10;
	v5 =	vadd.s32 v7, v8;
	[tilespmem:s29+$0x10020] =	vst v4;
	s29 =	smov.u32 s30  }
0xeb: {  	v1 =	vadd.s32 $0x7FFF, v1;
	v4 =	vshrl.u32 v11, $0x10;
	v5 =	vadd.s32 $0x7FFF, v5  }
0xec: {  	v1 =	vshrl.u32 v1, $0x10;
	v7 =	vshrl.u32 v12, $0x10;
	v5 =	vand.u32 $0xFFFF0000, v5  }
.Ltmp4:
0xed: {  	v2 =	vand.u32 $0x1, v2;
	v8 =	vshrl.u32 v6, $0x10;
	v1 =	vor.u32 v1, v5;
	(pc) =	sbr.rel @p0 .LBB2_10-.Ltmp4, $4  }
0xee: {  	v3 =	vand.u32 $0x1, v3;
	v4 =	vand.u32 $0x1, v4;
	v5 =	vshrl.u32 v13, $0x10;
	[tilespmem:s29+$0x10030] =	vst v1  }
0xef: {  	v7 =	vand.u32 $0x1, v7;
	v8 =	vand.u32 $0x1, v8;
	v14 =	vand.u32 $0x1, v5  }
0xf0: {  	s30 =	sshra.s32 s31, $0x2;
	v2 =	vadd.s32 v2, v9;
	v3 =	vadd.s32 v3, v10;
	v4 =	vadd.s32 v4, v11  }
0xf1: {  	s31 =	sadd.s32 $0x200, s31;
	v5 =	vadd.s32 v7, v12;
	v6 =	vadd.s32 v8, v6;
	v7 =	vadd.s32 v14, v13;
	v1 =	vld [tilespmem:s30+$0xE060]  }
0xf2: {  	v8 =	vld [tilespmem:s30+$0xE070];
	v2 =	vadd.s32 $0x7FFF, v2;
	v3 =	vadd.s32 $0x7FFF, v3  }
0xf3: {  	v4 =	vadd.s32 $0x7FFF, v4;
	v9 =	vld [tilespmem:s30+$0xE000];
	v5 =	vadd.s32 $0x7FFF, v5;
	v6 =	vadd.s32 $0x7FFF, v6  }
0xf4: {  	v7 =	vadd.s32 $0x7FFF, v7;
	v10 =	vld [tilespmem:s30+$0xE010];
	v2 =	vshrl.u32 v2, $0x10;
	v3 =	vand.u32 $0xFFFF0000, v3  }
0xf5: {  	v11 =	vld [tilespmem:s30+$0xE020];
	v4 =	vshrl.u32 v4, $0x10;
	v5 =	vand.u32 $0xFFFF0000, v5;
	v6 =	vshrl.u32 v6, $0x10  }
0xf6: {  	v7 =	vand.u32 $0xFFFF0000, v7;
	v2 =	vor.u32 v2, v3;
	v3 =	vor.u32 v4, v5;
	v4 =	vld [tilespmem:s30+$0xE040]  }
0xf7: {  	v6 =	vor.u32 v6, v7;
	v5 =	vshrl.u32 v1, $0x10  }
0xf8: {  	v12 =	vld [tilespmem:s30+$0xE030];
	[tilespmem:s29+$0x10000] =	vst v2;
	v13 =	vshrl.u32 v8, $0x10;
	v2 =	vand.u32 $0x1, v5;
	v7 =	vshrl.u32 v9, $0x10  }
0xf9: {  	v54 =	vld [tilespmem:s30+$0xE050];
	v5 =	vand.u32 $0x1, v13;
	v1 =	vadd.s32 v2, v1;
	v7 =	vand.u32 $0x1, v7  }
0xfa: {  	v2 =	vadd.s32 v5, v8;
	v5 =	vshrl.u32 v10, $0x10;
	v1 =	vadd.s32 $0x7FFF, v1  }
0xfb: {  	v8 =	vshrl.u32 v11, $0x10;
	v7 =	vadd.s32 v7, v9;
	v55 =	vshrl.u32 v4, $0x10  }
0xfc: {  	v2 =	vadd.s32 $0x7FFF, v2;
	v1 =	vshrl.u32 v1, $0x10;
	v5 =	vand.u32 $0x1, v5  }
0xfd: {  	v8 =	vand.u32 $0x1, v8;
	v9 =	vand.u32 $0x1, v55;
	v7 =	vadd.s32 $0x7FFF, v7  }
0xfe: {  	v2 =	vand.u32 $0xFFFF0000, v2;
	v5 =	vadd.s32 v5, v10;
	v56 =	vshrl.u32 v54, $0x10  }
0xff: {  	v8 =	vadd.s32 v8, v11;
	v4 =	vadd.s32 v9, v4;
	v7 =	vshrl.u32 v7, $0x10  }
0x100: {  	v1 =	vor.u32 v1, v2;
	v2 =	vshrl.u32 v12, $0x10;
	v10 =	vand.u32 $0x1, v56  }
0x101: {  	[tilespmem:s29+$0x10010] =	vst v3;
	v5 =	vadd.s32 $0x7FFF, v5;
	v3 =	vadd.s32 $0x7FFF, v8;
	v2 =	vand.u32 $0x1, v2  }
0x102: {  	[tilespmem:s29+$0x10020] =	vst v6;
	v4 =	vadd.s32 $0x7FFF, v4;
	v57 =	vadd.s32 v10, v54;
	v2 =	vadd.s32 v2, v12  }
0x103: {  	v5 =	vand.u32 $0xFFFF0000, v5;
	[tilespmem:s30+$0x10030] =	vst v1;
	v1 =	vshrl.u32 v3, $0x10;
	v2 =	vadd.s32 $0x7FFF, v2  }
0x104: {  	v6 =	vadd.s32 $0x7FFF, v57;
	v3 =	vor.u32 v7, v5;
	v2 =	vand.u32 $0xFFFF0000, v2  }
0x105: {  	v4 =	vshrl.u32 v4, $0x10;
	v5 =	vand.u32 $0xFFFF0000, v6;
	[tilespmem:s30+$0x10000] =	vst v3;
	v1 =	vor.u32 v1, v2  }
0x106: {  	v2 =	vor.u32 v4, v5;
	[tilespmem:s30+$0x10010] =	vst v1  }
0x107: {  	s0 =	simm.s32 $0x0;
	[tilespmem:s30+$0x10020] =	vst v2  }
0x108: {  	[hbm4b:s14+s0] =	stream.linear.scatter [tilespmem:s26], [sflag:$0x2], $0x2000, $0x38;
	[tilespmem:$0x1C000] =	vst v63  }
0x109: {  	_ =	swait.ge [sflag:s20], $0x2000  }
0x10a: {  	[sflag:s20] =	ssyncset.done $0x0  }
0x10b: {  	[sflag:s20] =	ssyncadd.s32 $0xFFFFE000  }
0x10c: {  	[tilespmem:s25], [sflag:$0x2] =	stream.linear.gather [spmem:s15], $0x2000, $0x38;
	[tilespmem:$0x1C000] =	vst v63  }
0x10d: {  	_ =	swait.ge [sflag:s20], $0x2000  }
0x10e: {  	[sflag:s20] =	ssyncset.done $0x0  }
0x10f: {  	s29 =	simm.s32 $0x0;
	[sflag:s20] =	ssyncadd.s32 $0xFFFFE000  }
0x110: {  	v1 =	vld [tilespmem:s29+$0xE060]  }
0x111: {  	v2 =	vld [tilespmem:s29+$0xE070]  }
0x112: {  	v3 =	vld [tilespmem:s29+$0xE000]  }
0x113: {  	v4 =	vld [tilespmem:s29+$0xE010]  }
0x114: {  	v6 =	vld [tilespmem:s29+$0xE030]  }
0x115: {  	v7 =	vld [tilespmem:s29+$0xE040];
	_ =	sdelay $0x2  }
0x116: {  	v5 =	vld [tilespmem:s29+$0xE020];
	v8 =	vshrl.u32 v1, $0x10;
	v58 =	vshrl.u32 v2, $0x10  }
0x117: {  	v60 =	vld [tilespmem:s29+$0xE050];
	v59 =	vshrl.u32 v3, $0x10;
	v61 =	vshrl.u32 v4, $0x10;
	v62 =	vshrl.u32 v6, $0x10  }
0x118: {  	v63 =	vshrl.u32 v7, $0x10;
	v8 =	vand.u32 $0x1, v8;
	v9 =	vand.u32 $0x1, v58  }
0x119: {  	v10 =	vand.u32 $0x1, v59;
	v1 =	vadd.s32 v8, v1;
	v2 =	vadd.s32 v9, v2  }
0x11a: {  	v12 =	vand.u32 $0x1, v61;
	v1 =	vadd.s32 $0x7FFF, v1;
	v2 =	vadd.s32 $0x7FFF, v2  }
0x11b: {  	v13 =	vand.u32 $0x1, v63;
	v1 =	vshrl.u32 v1, $0x10;
	v2 =	vand.u32 $0xFFFF0000, v2  }
0x11c: {  	v8 =	vshrl.u32 v5, $0x10;
	v1 =	vor.u32 v1, v2;
	v2 =	vshrl.u32 v60, $0x10  }
0x11d: {  	v9 =	vand.u32 $0x1, v62;
	v8 =	vand.u32 $0x1, v8;
	v14 =	vand.u32 $0x1, v2  }
0x11e: {  	s30 =	simm.s32 $0x80;
	[tilespmem:s29+$0x10030] =	vst v1;
	v2 =	vadd.s32 v10, v3;
	v3 =	vadd.s32 v12, v4;
	v4 =	vadd.s32 v8, v5  }
0x11f: {  	s31 =	simm.s32 $0x400;
	v5 =	vadd.s32 v9, v6;
	v6 =	vadd.s32 v13, v7;
	v1 =	vld [tilespmem:s30+$0xE060];
	v7 =	vadd.s32 v14, v60  }
.LBB2_12:
0x120: {  	p0 =	sne.s32 s31, $0x7E00;
	v8 =	vld [tilespmem:s30+$0xE070];
	v2 =	vadd.s32 $0x7FFF, v2;
	v3 =	vadd.s32 $0x7FFF, v3;
	v4 =	vadd.s32 $0x7FFF, v4  }
0x121: {  	v5 =	vadd.s32 $0x7FFF, v5;
	v6 =	vadd.s32 $0x7FFF, v6;
	v7 =	vadd.s32 $0x7FFF, v7;
	v9 =	vld [tilespmem:s30+$0xE000]  }
0x122: {  	v2 =	vshrl.u32 v2, $0x10;
	v3 =	vand.u32 $0xFFFF0000, v3;
	v4 =	vshrl.u32 v4, $0x10;
	v10 =	vld [tilespmem:s30+$0xE010]  }
0x123: {  	v5 =	vand.u32 $0xFFFF0000, v5;
	v6 =	vshrl.u32 v6, $0x10;
	v7 =	vand.u32 $0xFFFF0000, v7;
	v11 =	vld [tilespmem:s30+$0xE020]  }
0x124: {  	v2 =	vor.u32 v2, v3;
	v3 =	vor.u32 v4, v5;
	v4 =	vor.u32 v6, v7;
	v12 =	vld [tilespmem:s30+$0xE030]  }
0x125: {  	v5 =	vshrl.u32 v1, $0x10;
	v6 =	vld [tilespmem:s30+$0xE040];
	v7 =	vshrl.u32 v8, $0x10;
	[tilespmem:s29+$0x10000] =	vst v2  }
0x126: {  	v5 =	vand.u32 $0x1, v5;
	v2 =	vshrl.u32 v9, $0x10;
	v13 =	vld [tilespmem:s30+$0xE050];
	v7 =	vand.u32 $0x1, v7;
	[tilespmem:s29+$0x10010] =	vst v3  }
0x127: {  	v1 =	vadd.s32 v5, v1;
	v3 =	vshrl.u32 v10, $0x10;
	v5 =	vadd.s32 v7, v8;
	[tilespmem:s29+$0x10020] =	vst v4;
	s29 =	smov.u32 s30  }
0x128: {  	v1 =	vadd.s32 $0x7FFF, v1;
	v4 =	vshrl.u32 v11, $0x10;
	v5 =	vadd.s32 $0x7FFF, v5  }
0x129: {  	v1 =	vshrl.u32 v1, $0x10;
	v7 =	vshrl.u32 v12, $0x10;
	v5 =	vand.u32 $0xFFFF0000, v5  }
.Ltmp5:
0x12a: {  	v2 =	vand.u32 $0x1, v2;
	v8 =	vshrl.u32 v6, $0x10;
	v1 =	vor.u32 v1, v5;
	(pc) =	sbr.rel @p0 .LBB2_12-.Ltmp5, $4  }
0x12b: {  	v3 =	vand.u32 $0x1, v3;
	v4 =	vand.u32 $0x1, v4;
	v5 =	vshrl.u32 v13, $0x10;
	[tilespmem:s29+$0x10030] =	vst v1  }
0x12c: {  	v7 =	vand.u32 $0x1, v7;
	v8 =	vand.u32 $0x1, v8;
	v14 =	vand.u32 $0x1, v5  }
0x12d: {  	s30 =	sshra.s32 s31, $0x2;
	v2 =	vadd.s32 v2, v9;
	v3 =	vadd.s32 v3, v10;
	v4 =	vadd.s32 v4, v11  }
0x12e: {  	s31 =	sadd.s32 $0x200, s31;
	v5 =	vadd.s32 v7, v12;
	v6 =	vadd.s32 v8, v6;
	v7 =	vadd.s32 v14, v13;
	v1 =	vld [tilespmem:s30+$0xE060]  }
0x12f: {  	v8 =	vld [tilespmem:s30+$0xE070];
	v2 =	vadd.s32 $0x7FFF, v2;
	v3 =	vadd.s32 $0x7FFF, v3  }
0x130: {  	v4 =	vadd.s32 $0x7FFF, v4;
	v9 =	vld [tilespmem:s30+$0xE000];
	v5 =	vadd.s32 $0x7FFF, v5;
	v6 =	vadd.s32 $0x7FFF, v6  }
0x131: {  	v7 =	vadd.s32 $0x7FFF, v7;
	v10 =	vld [tilespmem:s30+$0xE010];
	v2 =	vshrl.u32 v2, $0x10;
	v3 =	vand.u32 $0xFFFF0000, v3  }
0x132: {  	v11 =	vld [tilespmem:s30+$0xE020];
	v4 =	vshrl.u32 v4, $0x10;
	v5 =	vand.u32 $0xFFFF0000, v5;
	v6 =	vshrl.u32 v6, $0x10  }
0x133: {  	v7 =	vand.u32 $0xFFFF0000, v7;
	v2 =	vor.u32 v2, v3;
	v3 =	vor.u32 v4, v5;
	v4 =	vld [tilespmem:s30+$0xE040]  }
0x134: {  	v6 =	vor.u32 v6, v7;
	v5 =	vshrl.u32 v1, $0x10  }
0x135: {  	v12 =	vld [tilespmem:s30+$0xE030];
	[tilespmem:s29+$0x10000] =	vst v2;
	v13 =	vshrl.u32 v8, $0x10;
	v2 =	vand.u32 $0x1, v5;
	v7 =	vshrl.u32 v9, $0x10  }
0x136: {  	v54 =	vld [tilespmem:s30+$0xE050];
	v5 =	vand.u32 $0x1, v13;
	v1 =	vadd.s32 v2, v1;
	v7 =	vand.u32 $0x1, v7  }
0x137: {  	v2 =	vadd.s32 v5, v8;
	v5 =	vshrl.u32 v10, $0x10;
	v1 =	vadd.s32 $0x7FFF, v1  }
0x138: {  	v8 =	vshrl.u32 v11, $0x10;
	v7 =	vadd.s32 v7, v9;
	v55 =	vshrl.u32 v4, $0x10  }
0x139: {  	v2 =	vadd.s32 $0x7FFF, v2;
	v1 =	vshrl.u32 v1, $0x10;
	v5 =	vand.u32 $0x1, v5  }
0x13a: {  	v8 =	vand.u32 $0x1, v8;
	v9 =	vand.u32 $0x1, v55;
	v7 =	vadd.s32 $0x7FFF, v7  }
0x13b: {  	v2 =	vand.u32 $0xFFFF0000, v2;
	v5 =	vadd.s32 v5, v10;
	v56 =	vshrl.u32 v54, $0x10  }
0x13c: {  	v8 =	vadd.s32 v8, v11;
	v4 =	vadd.s32 v9, v4;
	v7 =	vshrl.u32 v7, $0x10  }
0x13d: {  	v1 =	vor.u32 v1, v2;
	v2 =	vshrl.u32 v12, $0x10;
	v10 =	vand.u32 $0x1, v56  }
0x13e: {  	[tilespmem:s29+$0x10010] =	vst v3;
	v5 =	vadd.s32 $0x7FFF, v5;
	v3 =	vadd.s32 $0x7FFF, v8;
	v2 =	vand.u32 $0x1, v2  }
0x13f: {  	[tilespmem:s29+$0x10020] =	vst v6;
	v4 =	vadd.s32 $0x7FFF, v4;
	v57 =	vadd.s32 v10, v54;
	v2 =	vadd.s32 v2, v12  }
0x140: {  	v5 =	vand.u32 $0xFFFF0000, v5;
	[tilespmem:s30+$0x10030] =	vst v1;
	v1 =	vshrl.u32 v3, $0x10;
	v2 =	vadd.s32 $0x7FFF, v2  }
0x141: {  	v6 =	vadd.s32 $0x7FFF, v57;
	v3 =	vor.u32 v7, v5;
	v2 =	vand.u32 $0xFFFF0000, v2  }
0x142: {  	v4 =	vshrl.u32 v4, $0x10;
	v5 =	vand.u32 $0xFFFF0000, v6;
	[tilespmem:s30+$0x10000] =	vst v3;
	v1 =	vor.u32 v1, v2  }
0x143: {  	v2 =	vor.u32 v4, v5;
	[tilespmem:s30+$0x10010] =	vst v1  }
0x144: {  	s0 =	simm.s32 $0x0;
	[tilespmem:s30+$0x10020] =	vst v2  }
0x145: {  	[hbm4b:s16+s0] =	stream.linear.scatter [tilespmem:s26], [sflag:$0x2], $0x2000, $0x38;
	[tilespmem:$0x1C000] =	vst v63  }
0x146: {  	_ =	swait.ge [sflag:s20], $0x2000  }
0x147: {  	[sflag:s20] =	ssyncset.done $0x0  }
0x148: {  	[sflag:s20] =	ssyncadd.s32 $0xFFFFE000  }
0x149: {  	[tilespmem:s25], [sflag:$0x2] =	stream.linear.gather [spmem:s17], $0x2000, $0x38;
	[tilespmem:$0x1C000] =	vst v63  }
0x14a: {  	_ =	swait.ge [sflag:s20], $0x2000  }
0x14b: {  	[sflag:s20] =	ssyncset.done $0x0  }
0x14c: {  	s29 =	simm.s32 $0x0;
	[sflag:s20] =	ssyncadd.s32 $0xFFFFE000  }
0x14d: {  	v1 =	vld [tilespmem:s29+$0xE060]  }
0x14e: {  	v2 =	vld [tilespmem:s29+$0xE070]  }
0x14f: {  	v3 =	vld [tilespmem:s29+$0xE000]  }
0x150: {  	v4 =	vld [tilespmem:s29+$0xE010]  }
0x151: {  	v6 =	vld [tilespmem:s29+$0xE030]  }
0x152: {  	v7 =	vld [tilespmem:s29+$0xE040];
	_ =	sdelay $0x2  }
0x153: {  	v5 =	vld [tilespmem:s29+$0xE020];
	v8 =	vshrl.u32 v1, $0x10;
	v58 =	vshrl.u32 v2, $0x10  }
0x154: {  	v60 =	vld [tilespmem:s29+$0xE050];
	v59 =	vshrl.u32 v3, $0x10;
	v61 =	vshrl.u32 v4, $0x10;
	v62 =	vshrl.u32 v6, $0x10  }
0x155: {  	v63 =	vshrl.u32 v7, $0x10;
	v8 =	vand.u32 $0x1, v8;
	v9 =	vand.u32 $0x1, v58  }
0x156: {  	v10 =	vand.u32 $0x1, v59;
	v1 =	vadd.s32 v8, v1;
	v2 =	vadd.s32 v9, v2  }
0x157: {  	v12 =	vand.u32 $0x1, v61;
	v1 =	vadd.s32 $0x7FFF, v1;
	v2 =	vadd.s32 $0x7FFF, v2  }
0x158: {  	v13 =	vand.u32 $0x1, v63;
	v1 =	vshrl.u32 v1, $0x10;
	v2 =	vand.u32 $0xFFFF0000, v2  }
0x159: {  	v8 =	vshrl.u32 v5, $0x10;
	v1 =	vor.u32 v1, v2;
	v2 =	vshrl.u32 v60, $0x10  }
0x15a: {  	v9 =	vand.u32 $0x1, v62;
	v8 =	vand.u32 $0x1, v8;
	v14 =	vand.u32 $0x1, v2  }
0x15b: {  	s30 =	simm.s32 $0x80;
	[tilespmem:s29+$0x10030] =	vst v1;
	v2 =	vadd.s32 v10, v3;
	v3 =	vadd.s32 v12, v4;
	v4 =	vadd.s32 v8, v5  }
0x15c: {  	s31 =	simm.s32 $0x400;
	v5 =	vadd.s32 v9, v6;
	v6 =	vadd.s32 v13, v7;
	v1 =	vld [tilespmem:s30+$0xE060];
	v7 =	vadd.s32 v14, v60  }
.LBB2_14:
0x15d: {  	p0 =	sne.s32 s31, $0x7E00;
	v8 =	vld [tilespmem:s30+$0xE070];
	v2 =	vadd.s32 $0x7FFF, v2;
	v3 =	vadd.s32 $0x7FFF, v3;
	v4 =	vadd.s32 $0x7FFF, v4  }
0x15e: {  	v5 =	vadd.s32 $0x7FFF, v5;
	v6 =	vadd.s32 $0x7FFF, v6;
	v7 =	vadd.s32 $0x7FFF, v7;
	v9 =	vld [tilespmem:s30+$0xE000]  }
0x15f: {  	v2 =	vshrl.u32 v2, $0x10;
	v3 =	vand.u32 $0xFFFF0000, v3;
	v4 =	vshrl.u32 v4, $0x10;
	v10 =	vld [tilespmem:s30+$0xE010]  }
0x160: {  	v5 =	vand.u32 $0xFFFF0000, v5;
	v6 =	vshrl.u32 v6, $0x10;
	v7 =	vand.u32 $0xFFFF0000, v7;
	v11 =	vld [tilespmem:s30+$0xE020]  }
0x161: {  	v2 =	vor.u32 v2, v3;
	v3 =	vor.u32 v4, v5;
	v4 =	vor.u32 v6, v7;
	v12 =	vld [tilespmem:s30+$0xE030]  }
0x162: {  	v5 =	vshrl.u32 v1, $0x10;
	v6 =	vld [tilespmem:s30+$0xE040];
	v7 =	vshrl.u32 v8, $0x10;
	[tilespmem:s29+$0x10000] =	vst v2  }
0x163: {  	v5 =	vand.u32 $0x1, v5;
	v2 =	vshrl.u32 v9, $0x10;
	v13 =	vld [tilespmem:s30+$0xE050];
	v7 =	vand.u32 $0x1, v7;
	[tilespmem:s29+$0x10010] =	vst v3  }
0x164: {  	v1 =	vadd.s32 v5, v1;
	v3 =	vshrl.u32 v10, $0x10;
	v5 =	vadd.s32 v7, v8;
	[tilespmem:s29+$0x10020] =	vst v4;
	s29 =	smov.u32 s30  }
0x165: {  	v1 =	vadd.s32 $0x7FFF, v1;
	v4 =	vshrl.u32 v11, $0x10;
	v5 =	vadd.s32 $0x7FFF, v5  }
0x166: {  	v1 =	vshrl.u32 v1, $0x10;
	v7 =	vshrl.u32 v12, $0x10;
	v5 =	vand.u32 $0xFFFF0000, v5  }
.Ltmp6:
0x167: {  	v2 =	vand.u32 $0x1, v2;
	v8 =	vshrl.u32 v6, $0x10;
	v1 =	vor.u32 v1, v5;
	(pc) =	sbr.rel @p0 .LBB2_14-.Ltmp6, $4  }
0x168: {  	v3 =	vand.u32 $0x1, v3;
	v4 =	vand.u32 $0x1, v4;
	v5 =	vshrl.u32 v13, $0x10;
	[tilespmem:s29+$0x10030] =	vst v1  }
0x169: {  	v7 =	vand.u32 $0x1, v7;
	v8 =	vand.u32 $0x1, v8;
	v14 =	vand.u32 $0x1, v5  }
0x16a: {  	s30 =	sshra.s32 s31, $0x2;
	v2 =	vadd.s32 v2, v9;
	v3 =	vadd.s32 v3, v10;
	v4 =	vadd.s32 v4, v11  }
0x16b: {  	s31 =	sadd.s32 $0x200, s31;
	v5 =	vadd.s32 v7, v12;
	v6 =	vadd.s32 v8, v6;
	v7 =	vadd.s32 v14, v13;
	v1 =	vld [tilespmem:s30+$0xE060]  }
0x16c: {  	v8 =	vld [tilespmem:s30+$0xE070]  }
0x16d: {  	v9 =	vld [tilespmem:s30+$0xE000]  }
0x16e: {  	v2 =	vadd.s32 $0x7FFF, v2;
	v10 =	vld [tilespmem:s30+$0xE010]  }
0x16f: {  	v3 =	vadd.s32 $0x7FFF, v3;
	v4 =	vadd.s32 $0x7FFF, v4;
	v5 =	vadd.s32 $0x7FFF, v5;
	v11 =	vld [tilespmem:s30+$0xE020]  }
0x170: {  	v6 =	vadd.s32 $0x7FFF, v6;
	v7 =	vadd.s32 $0x7FFF, v7;
	v52 =	vld [tilespmem:s30+$0xE040];
	v2 =	vshrl.u32 v2, $0x10  }
0x171: {  	v3 =	vand.u32 $0xFFFF0000, v3;
	v4 =	vshrl.u32 v4, $0x10;
	v5 =	vand.u32 $0xFFFF0000, v5  }
0x172: {  	v6 =	vshrl.u32 v6, $0x10;
	v7 =	vand.u32 $0xFFFF0000, v7;
	v2 =	vor.u32 v2, v3  }
0x173: {  	v3 =	vor.u32 v4, v5;
	v6 =	vor.u32 v6, v7;
	v53 =	vshrl.u32 v1, $0x10  }
0x174: {  	v12 =	vld [tilespmem:s30+$0xE030];
	[tilespmem:s29+$0x10000] =	vst v2;
	v13 =	vshrl.u32 v8, $0x10;
	v2 =	vand.u32 $0x1, v53;
	v55 =	vshrl.u32 v9, $0x10  }
0x175: {  	v57 =	vshrl.u32 v10, $0x10;
	v58 =	vshrl.u32 v11, $0x10;
	v59 =	vshrl.u32 v52, $0x10  }
0x176: {  	v56 =	vld [tilespmem:s30+$0xE050];
	v54 =	vand.u32 $0x1, v13;
	v1 =	vadd.s32 v2, v1;
	v7 =	vand.u32 $0x1, v55  }
0x177: {  	v5 =	vand.u32 $0x1, v57;
	v2 =	vadd.s32 v54, v8;
	v1 =	vadd.s32 $0x7FFF, v1  }
0x178: {  	v7 =	vadd.s32 v7, v9;
	v8 =	vand.u32 $0x1, v58;
	v5 =	vadd.s32 v5, v10  }
0x179: {  	v9 =	vand.u32 $0x1, v59;
	v2 =	vadd.s32 $0x7FFF, v2;
	v1 =	vshrl.u32 v1, $0x10  }
0x17a: {  	v8 =	vadd.s32 v8, v11;
	v4 =	vadd.s32 v9, v52;
	v7 =	vadd.s32 $0x7FFF, v7  }
0x17b: {  	v5 =	vadd.s32 $0x7FFF, v5;
	v2 =	vand.u32 $0xFFFF0000, v2;
	v60 =	vshrl.u32 v56, $0x10  }
0x17c: {  	[tilespmem:s29+$0x10010] =	vst v3;
	v3 =	vadd.s32 $0x7FFF, v8;
	v1 =	vor.u32 v1, v2;
	v2 =	vshrl.u32 v12, $0x10  }
0x17d: {  	v4 =	vadd.s32 $0x7FFF, v4;
	v7 =	vshrl.u32 v7, $0x10;
	v2 =	vand.u32 $0x1, v2  }
0x17e: {  	[tilespmem:s29+$0x10020] =	vst v6;
	v5 =	vand.u32 $0xFFFF0000, v5;
	v10 =	vand.u32 $0x1, v60;
	v2 =	vadd.s32 v2, v12  }
0x17f: {  	v61 =	vadd.s32 v10, v56;
	[tilespmem:s30+$0x10030] =	vst v1;
	v1 =	vshrl.u32 v3, $0x10;
	v2 =	vadd.s32 $0x7FFF, v2  }
0x180: {  	v3 =	vor.u32 v7, v5;
	v62 =	vadd.s32 $0x7FFF, v61;
	v2 =	vand.u32 $0xFFFF0000, v2  }
0x181: {  	s28 =	sadd.s32 $0x1, s28;
	v4 =	vshrl.u32 v4, $0x10;
	[tilespmem:s30+$0x10000] =	vst v3;
	v63 =	vand.u32 $0xFFFF0000, v62;
	v1 =	vor.u32 v1, v2  }
0x182: {  	p0 =	sne.s32 s28, s19;
	v2 =	vor.u32 v4, v63;
	[tilespmem:s30+$0x10010] =	vst v1  }
.Ltmp7:
0x183: {  	[tilespmem:s30+$0x10020] =	vst v2;
	(pc) =	sbr.rel @p0 .LBB2_1-.Ltmp7, $4  }
0x184: {  	[hbm4b:s18+s3] =	stream.linear.scatter [tilespmem:s26], [sflag:$0x2], $0x2000, $0x38;
	[tilespmem:$0x1C000] =	vst v63  }
0x185: {  	_ =	swait.ge [sflag:s20], $0x2000  }
0x186: {  	[sflag:s20] =	ssyncset.done $0x0  }
0x187: {  	[sflag:s20] =	ssyncadd.s32 $0xFFFFE000  }
0x188: {  	_ =	sfence.sel $0x180000  }
0x189: {  	[bflag:$0x0] =	sbarrier.arrive $0xFFFF  }
0x18a: {  	_ =	strace $0x90000047  }
0x18b: {  	[bflag:$0x2] =	sbarrier.arrive $0xFFFF  }
0x18c: {  	p0 =	sne.s32 s1, $0x0;
	s0 =	rddreg [dreg:$0x3]  }
0x18d: {  	s0 =	sadd.s32 @!p0 $0x100000, s0  }
0x18e: {  	[sflag:s0] =	ssyncadd.tile.s32 @!p0 $0x1;
	_ =	shalt  }
.Lfunc_end2:
_tile_overlayer_lowered:
.L_overlay_start_2:
0x18f: {  	(tag) =	ssettag $0x2  }
0x190: {  	s0 =	rddreg [dreg:$0x0];
	s2 =	stileid.u32  }
0x191: {  	s1 =	rddreg [dreg:$0x1];
	p0 =	sne.s32 s2, $0x0  }
0x192: {  	s3 =	rddreg [dreg:$0x2];
	[bflag:$0x3] =	sbarrier.arrive $0xFFFF;
	s2 =	simm.s32 @!p0 $0x1C02  }
0x193: {  	[timem:s3], [sflag:s2] =	dma.local @!p0 [hbm:s0], s1  }
0x194: {  	s0 =	simm.s32 @!p0 $0x2  }
0x195: {  	_ =	swait.ge @!p0 [sflag:s0], s1  }
0x196: {  	s1 =	ssub.s32 @!p0 $0x0, s1;
	[sflag:s0] =	ssyncset.done @!p0 $0x0  }
0x197: {  	[sflag:s0] =	ssyncadd.s32 @!p0 s1  }
0x198: {  	[bflag:$0x3] =	sbarrier.arrive $0xFFFF  }
0x199: {  	_ =	shalt  }

</sc_bundles>
